<compile_context>
chip_gen: v7x
topology: tpu7x:2x2x1
jax: 0.10.2.dev20260603
libtpu: 0.0.44.dev20260713+nightly
codegen_flags: <defaults>
</compile_context>

<pallas_src>
import functools

import jax
import jax.numpy as jnp
from jax import lax
from jax.experimental import pallas as pl
from jax.experimental.pallas import tpu as pltpu
from jax.experimental.pallas import tpu_sc as plsc

N, H, W = 16, 56, 56
HW = H * W
M = 32
KBITS = 10
D = 64
TS = 2 ** KBITS
CHUNK = 784
NCHUNK = HW // CHUNK
NGROUP = CHUNK // 16
NC, NS = 2, 16
L = 16


def _full(v, dtype=jnp.float32):
    return jnp.full((L,), v, dtype=dtype)


def _sc_partial(Br, Tr):
    mesh = plsc.VectorSubcoreMesh(
        core_axis_name="c", subcore_axis_name="s", num_cores=NC, num_subcores=NS
    )

    @functools.partial(
        pl.kernel,
        out_type=jax.ShapeDtypeStruct((NC, N, D, HW), jnp.float32),
        mesh=mesh,
        scratch_types=[
            pltpu.VMEM((TS * (D // 2),), jnp.int32),
            pltpu.VMEM((KBITS, CHUNK), jnp.float32),
            pltpu.VMEM((D, CHUNK), jnp.float32),
            pltpu.VMEM((D,), jnp.int32),
            pltpu.VMEM_SHARED((D, CHUNK), jnp.float32),
        ],
        compiler_params=pltpu.CompilerParams(
            use_tc_tiling_on_sc=False, needs_layout_passes=False
        ),
    )
    def k(b_hbm, t_hbm, out_hbm, tab_v, bits_v, acc_v, rows_v, acc_sh):
        c = lax.axis_index("c")
        s = lax.axis_index("s")
        f = c * NS + s

        pltpu.sync_copy(t_hbm.at[f], tab_v)
        for i in range(D // L):
            rows_v[pl.ds(i * L, L)] = lax.iota(jnp.int32, L) + i * L

        def group_body(g, carry):
            base = g * L
            T = [bits_v[kk, pl.ds(base, L)] for kk in range(KBITS)]
            half = _full(0.5)
            word = _full(0, jnp.int32)
            for kk in range(KBITS):
                bit = T[kk] >= half
                word = word | jnp.where(bit, _full(1 << (KBITS - 1 - kk), jnp.int32),
                                        _full(0, jnp.int32))
            BA = [jnp.abs(T[kk] - half) for kk in range(KBITS)]
            bv, bi, bt = BA[0], _full(0, jnp.int32), T[0]
            for kk in range(1, KBITS):
                lt = BA[kk] < bv
                bv = jnp.where(lt, BA[kk], bv)
                bi = jnp.where(lt, _full(kk, jnp.int32), bi)
                bt = jnp.where(lt, T[kk], bt)
            one = _full(1.0)
            zero = _full(0.0)
            v0 = BA[0] + jnp.where(bi == _full(0, jnp.int32), one, zero)
            b2v, b2i, b2t = v0, _full(0, jnp.int32), T[0]
            for kk in range(1, KBITS):
                vk = BA[kk] + jnp.where(bi == _full(kk, jnp.int32), one, zero)
                lt = vk < b2v
                b2v = jnp.where(lt, vk, b2v)
                b2i = jnp.where(lt, _full(kk, jnp.int32), b2i)
                b2t = jnp.where(lt, T[kk], b2t)
            onei = _full(1, jnp.int32)
            m0 = lax.shift_left(onei, _full(KBITS - 1, jnp.int32) - bi)
            m1 = lax.shift_left(onei, _full(KBITS - 1, jnp.int32) - b2i)
            nm0 = ~m0
            nm1 = ~m1
            w00 = (word & nm0) & nm1
            w10 = (word | m0) & nm1
            w01 = (word & nm0) | m1
            w11 = (word | m0) | m1
            t0, t1 = bt, b2t
            at00 = (one - t0) * (one - t1)
            at10 = t0 * (one - t1)
            at01 = (one - t0) * t1
            at11 = t0 * t1
            fmt = plsc.PackFormat.INTERLEAVED

            @plsc.parallel_loop(0, D // 2, unroll=8)
            def _(j):
                off = j * TS
                g0 = plsc.load_gather(tab_v, [w00 + off])
                g1 = plsc.load_gather(tab_v, [w10 + off])
                g2 = plsc.load_gather(tab_v, [w01 + off])
                g3 = plsc.load_gather(tab_v, [w11 + off])
                a0, b0 = plsc.unpack(plsc.bitcast(g0, jnp.bfloat16), format=fmt,
                                     preferred_element_type=jnp.float32)
                a1, b1 = plsc.unpack(plsc.bitcast(g1, jnp.bfloat16), format=fmt,
                                     preferred_element_type=jnp.float32)
                a2, b2 = plsc.unpack(plsc.bitcast(g2, jnp.bfloat16), format=fmt,
                                     preferred_element_type=jnp.float32)
                a3, b3 = plsc.unpack(plsc.bitcast(g3, jnp.bfloat16), format=fmt,
                                     preferred_element_type=jnp.float32)
                lo = (at00 * a0 + at10 * a1) + (at01 * a2 + at11 * a3)
                hi = (at00 * b0 + at10 * b1) + (at01 * b2 + at11 * b3)
                acc_v[2 * j, pl.ds(base, L)] = lo
                acc_v[2 * j + 1, pl.ds(base, L)] = hi

            return carry

        def chunk_body(n, ch):
            pltpu.sync_copy(b_hbm.at[n, f, :, pl.ds(ch * CHUNK, CHUNK)], bits_v)
            lax.fori_loop(0, NGROUP, group_body, 0)

            @pl.when(s == 0)
            def _():
                pltpu.sync_copy(acc_v, acc_sh)

            plsc.subcore_barrier()

            @pl.when(s != 0)
            def _():
                pltpu.sync_copy(acc_v, acc_sh.at[rows_v], add=True)

            plsc.subcore_barrier()

            @pl.when(s == 0)
            def _():
                pltpu.sync_copy(acc_sh, out_hbm.at[c, n, :, pl.ds(ch * CHUNK, CHUNK)])

            plsc.subcore_barrier()

        def n_body(n, carry):
            def ch_body(ch, carry2):
                chunk_body(n, ch)
                return carry2
            lax.fori_loop(0, NCHUNK, ch_body, 0)
            return carry

        lax.fori_loop(0, N, n_body, 0)

    return k(Br, Tr)


def _tc_combine(p0, p1):
    def body(a_ref, b_ref, o_ref):
        o_ref[...] = a_ref[...] + b_ref[...]

    spec = pl.BlockSpec((1, D, HW), lambda n: (n, 0, 0))
    return pl.pallas_call(
        body,
        grid=(N,),
        in_specs=[spec, spec],
        out_specs=spec,
        out_shape=jax.ShapeDtypeStruct((N, D, HW), jnp.float32),
    )(p0, p1)


def kernel(B, table):
    Br = B.reshape(N, M, KBITS, HW)
    tb = table.astype(jnp.bfloat16)
    lo16 = lax.bitcast_convert_type(tb[..., 0::2], jnp.uint16)
    hi16 = lax.bitcast_convert_type(tb[..., 1::2], jnp.uint16)
    packed = lo16.astype(jnp.uint32) | (hi16.astype(jnp.uint32) << 16)
    Tr = lax.bitcast_convert_type(
        jnp.swapaxes(packed, 1, 2), jnp.int32
    ).reshape(M, (D // 2) * TS)
    partial = _sc_partial(Br, Tr)
    out = _tc_combine(partial[0], partial[1])
    return out.reshape(N, D, H, W)

# --- scband reference (transcript-rebuilt; emitter-appended) ---
"""Pipeline reference for scband-fern-sparse-table-37512244364034 (READ-ONLY COPY).

The authoritative reference and input builder live on the scoring server;
editing this copy changes nothing except your own understanding.
"""

import jax, jax.numpy as jnp
import numpy as np

N, H, W = 16, 56, 56
M = 32          # num_of_ferns
KBITS = 10      # K bit functions per fern
A = 4           # num_of_active_words
LP = 2          # log2(A)
D_OUT = 64
TABLE_SIZE = 2 ** KBITS


def setup_inputs(seed: int = 0) -> dict:
    key = jax.random.key(seed)
    k1, k2 = jax.random.split(key)
    B = jax.random.uniform(k1, (N, M * KBITS, H, W), dtype=jnp.float32)
    table = jax.random.normal(k2, (M, TABLE_SIZE, D_OUT), dtype=jnp.float32) * 0.02
    return {"B": B, "table": table}


def _fern_activations_and_indices(T):
    # T: [N, KBITS, H, W], values in [0, 1] (soft bit-function outputs)
    TB = jnp.round(T).astype(jnp.uint32)
    WB = jnp.zeros((T.shape[0], T.shape[2], T.shape[3]), dtype=jnp.uint32)
    for k in range(KBITS):
        WB = jnp.left_shift(WB, jnp.uint32(1)) | TB[:, k]
    # ambiguity: distance of each bit from 0.5; pick LP most ambiguous bits
    BA = jnp.abs(T - 0.5)
    a_list, m_list = [], []
    for j in range(LP):
        aj = jnp.argmin(BA, axis=1)                                   # [N,H,W] most ambiguous bit index
        mj = jnp.take_along_axis(T, aj[:, None], axis=1)[:, 0]        # [N,H,W] its soft activation
        a_list.append(aj)
        m_list.append(mj)
        # scatter_nd_add of ones at the chosen bit so it is not re-selected
        BA = BA + jax.nn.one_hot(aj, KBITS, dtype=BA.dtype, axis=1)
    # enumerate the A = 2^LP active words by flipping the ambiguous bits
    IT = jnp.tile(WB[:, None], (1, A, 1, 1))                          # [N,A,H,W] word indices
    AT = jnp.ones((T.shape[0], A, T.shape[2], T.shape[3]), dtype=T.dtype)
    for j in range(LP):
        rep = 2 ** j
        pat = jnp.tile(jnp.concatenate([jnp.zeros(rep, dtype=bool), jnp.ones(rep, dtype=bool)]), A // (2 * rep))
        pat = pat[None, :, None, None]                                # [1,A,1,1] bit pattern
        bitpos = (KBITS - 1 - a_list[j]).astype(jnp.uint32)           # WB was built MSB-first
        mask = jnp.left_shift(jnp.ones_like(bitpos), bitpos)[:, None] # [N,1,H,W]
        IT = jnp.where(pat, IT | mask, IT & (~mask))
        mj = m_list[j][:, None]
        AT = AT * jnp.where(pat, mj, 1.0 - mj)
    return IT, AT


def _forward(B, table):
    Bm = jnp.transpose(B.reshape(N, M, KBITS, H, W), (1, 0, 2, 3, 4))  # [M,N,KBITS,H,W]

    def body(acc, xs):
        T, tab = xs
        IT, AT = _fern_activations_and_indices(T)
        # sparse-table lookup: gather A table rows per pixel, weight by soft votes
        votes = jnp.take(tab, IT.astype(jnp.int32), axis=0)           # [N,A,H,W,D_OUT]
        contrib = jnp.einsum('nahw,nahwd->ndhw', AT, votes)
        return acc + contrib, None

    out, _ = jax.lax.scan(body, jnp.zeros((N, D_OUT, H, W), dtype=jnp.float32), (Bm, table))
    return out


def reference(B, table):
    return _forward(B, table)

if __name__ == "__main__":
    import jax
    _d = setup_inputs()
    print(jax.jit(kernel)(*tuple(_d.values())))

</pallas_src>

<mosaic_0001>
#map = affine_map<(d0, d1) -> (0, 0, 0, 0)>
#map1 = affine_map<(d0, d1) -> (0, 0)>
module attributes {stable_mosaic.version = 14 : i64} {
  func.func @k(%arg0: i32, %arg1: i32, %arg2: memref<16x32x10x3136xf32, #tpu.memory_space<hbm>>, %arg3: memref<32x32768xi32, #tpu.memory_space<hbm>>, %arg4: memref<2x16x64x3136xf32, #tpu.memory_space<hbm>>, %arg5: memref<32768xi32, #tpu.memory_space<vmem>>, %arg6: memref<10x784xf32, #tpu.memory_space<vmem>>, %arg7: memref<64x784xf32, #tpu.memory_space<vmem>>, %arg8: memref<64xi32, #tpu.memory_space<vmem>>, %arg9: memref<64x784xf32, #tpu.memory_space<vmem_shared>>) attributes {dimension_semantics = [#tpu.dimension_semantics<core_parallel>, #tpu.dimension_semantics<subcore_parallel>], iteration_bounds = array<i64: 2, 16>, scalar_prefetch = 0 : i64, scratch_operands = 5 : i64, tpu.core_type = #tpu.core_type<sc_vector_subcore>, window_params = [{transform_indices = #map}, {transform_indices = #map1}, {transform_indices = #map}]} {
    %mul3A = arith.constant 16 : i32
    %mul3A_0 = arith.muli %arg0, %mul3A : i32
    %add3A = arith.addi %mul3A_0, %arg1 : i32
    "tpu.region"() ({
      %run_scoped3A = tpu.sem_alloc : memref<!tpu.dma_semaphore, #tpu.memory_space<semaphore_mem>>
      %dma_start3A = arith.constant 0 : i32
      %dma_start3A_28 = tpu.memref_slice %arg3[%add3A, %dma_start3A] : memref<32x32768xi32, #tpu.memory_space<hbm>> -> memref<1x32768xi32, #tpu.memory_space<hbm>>
      %dma_start3A_29 = tpu.memref_squeeze %dma_start3A_28 : memref<1x32768xi32, #tpu.memory_space<hbm>> -> memref<32768xi32, #tpu.memory_space<hbm>>
      %dma_start3A_30 = arith.constant 0 : i32
      %dma_start3A_31 = tpu.memref_slice %arg3[%add3A, %dma_start3A_30] : memref<32x32768xi32, #tpu.memory_space<hbm>> -> memref<1x32768xi32, #tpu.memory_space<hbm>>
      %dma_start3A_32 = tpu.memref_squeeze %dma_start3A_31 : memref<1x32768xi32, #tpu.memory_space<hbm>> -> memref<32768xi32, #tpu.memory_space<hbm>>
      tpu.enqueue_dma source(%dma_start3A_32 : memref<32768xi32, #tpu.memory_space<hbm>>) target(%arg5 : memref<32768xi32, #tpu.memory_space<vmem>>) target_semaphore(%run_scoped3A : memref<!tpu.dma_semaphore, #tpu.memory_space<semaphore_mem>>)
      %dma_wait3A = arith.constant 0 : i32
      %dma_wait3A_33 = tpu.memref_slice %arg3[%add3A, %dma_wait3A] : memref<32x32768xi32, #tpu.memory_space<hbm>> -> memref<1x32768xi32, #tpu.memory_space<hbm>>
      %dma_wait3A_34 = tpu.memref_squeeze %dma_wait3A_33 : memref<1x32768xi32, #tpu.memory_space<hbm>> -> memref<32768xi32, #tpu.memory_space<hbm>>
      %dma_wait3A_35 = arith.constant 0 : i32
      %dma_wait3A_36 = tpu.memref_slice %arg3[%add3A, %dma_wait3A_35] : memref<32x32768xi32, #tpu.memory_space<hbm>> -> memref<1x32768xi32, #tpu.memory_space<hbm>>
      %dma_wait3A_37 = tpu.memref_squeeze %dma_wait3A_36 : memref<1x32768xi32, #tpu.memory_space<hbm>> -> memref<32768xi32, #tpu.memory_space<hbm>>
      tpu.wait_dma2 semaphore(%run_scoped3A : memref<!tpu.dma_semaphore, #tpu.memory_space<semaphore_mem>>) src(%dma_wait3A_37 : memref<32768xi32, #tpu.memory_space<hbm>>) dst(%arg5 : memref<32768xi32, #tpu.memory_space<vmem>>)
      tpu.yield
    }) : () -> ()
    %iota3A = tpu.iota {dimensions = array<i32: 0>} : vector<16xi32>
    %add3A_1 = arith.constant 0 : i32
    %add3A_2 = vector.broadcast %add3A_1 : i32 to vector<16xi32>
    %add3A_3 = arith.addi %iota3A, %add3A_2 : vector<16xi32>
    %swap3A = arith.constant 0 : index
    %swap3A_4 = tpu.vector_load %arg8[%swap3A] {strides = array<i32>} : memref<64xi32, #tpu.memory_space<vmem>>, vector<16xi32>,
    tpu.vector_store %arg8[%swap3A], %add3A_3 {strides = array<i32>} : memref<64xi32, #tpu.memory_space<vmem>>, vector<16xi32>,
    %iota3A_5 = tpu.iota {dimensions = array<i32: 0>} : vector<16xi32>
    %add3A_6 = arith.constant 16 : i32
    %add3A_7 = vector.broadcast %add3A_6 : i32 to vector<16xi32>
    %add3A_8 = arith.addi %iota3A_5, %add3A_7 : vector<16xi32>
    %swap3A_9 = arith.constant 16 : index
    %swap3A_10 = tpu.vector_load %arg8[%swap3A_9] {strides = array<i32>} : memref<64xi32, #tpu.memory_space<vmem>>, vector<16xi32>,
    tpu.vector_store %arg8[%swap3A_9], %add3A_8 {strides = array<i32>} : memref<64xi32, #tpu.memory_space<vmem>>, vector<16xi32>,
    %iota3A_11 = tpu.iota {dimensions = array<i32: 0>} : vector<16xi32>
    %add3A_12 = arith.constant 32 : i32
    %add3A_13 = vector.broadcast %add3A_12 : i32 to vector<16xi32>
    %add3A_14 = arith.addi %iota3A_11, %add3A_13 : vector<16xi32>
    %swap3A_15 = arith.constant 32 : index
    %swap3A_16 = tpu.vector_load %arg8[%swap3A_15] {strides = array<i32>} : memref<64xi32, #tpu.memory_space<vmem>>, vector<16xi32>,
    tpu.vector_store %arg8[%swap3A_15], %add3A_14 {strides = array<i32>} : memref<64xi32, #tpu.memory_space<vmem>>, vector<16xi32>,
    %iota3A_17 = tpu.iota {dimensions = array<i32: 0>} : vector<16xi32>
    %add3A_18 = arith.constant 48 : i32
    %add3A_19 = vector.broadcast %add3A_18 : i32 to vector<16xi32>
    %add3A_20 = arith.addi %iota3A_17, %add3A_19 : vector<16xi32>
    %swap3A_21 = arith.constant 48 : index
    %swap3A_22 = tpu.vector_load %arg8[%swap3A_21] {strides = array<i32>} : memref<64xi32, #tpu.memory_space<vmem>>, vector<16xi32>,
    tpu.vector_store %arg8[%swap3A_21], %add3A_20 {strides = array<i32>} : memref<64xi32, #tpu.memory_space<vmem>>, vector<16xi32>,
    %scan3A = arith.constant 0 : i32
    %scan3A_23 = arith.constant 0 : i32
    %scan3A_24 = arith.constant 16 : i32
    %scan3A_25 = arith.addi %scan3A_23, %scan3A_24 : i32
    %scan3A_26 = arith.constant 1 : i32
    scf.for %scan3A_28 = %scan3A_23 to %scan3A_25 step %scan3A_26  : i32 {
      %scan3A_29 = arith.constant 0 : i32
      %scan3A_30 = arith.constant 0 : i32
      %scan3A_31 = arith.constant 4 : i32
      %scan3A_32 = arith.addi %scan3A_30, %scan3A_31 : i32
      %scan3A_33 = arith.constant 1 : i32
      scf.for %scan3A_35 = %scan3A_30 to %scan3A_32 step %scan3A_33  : i32 {
        %mul3A_36 = arith.constant 784 : i32
        %mul3A_37 = arith.muli %scan3A_35, %mul3A_36 : i32
        "tpu.region"() ({
          %run_scoped3A = tpu.sem_alloc : memref<!tpu.dma_semaphore, #tpu.memory_space<semaphore_mem>>
          %dma_start3A = arith.constant 0 : i32
          %dma_start3A_57 = tpu.memref_slice %arg2[%scan3A_28, %add3A, %dma_start3A, %mul3A_37] : memref<16x32x10x3136xf32, #tpu.memory_space<hbm>> -> memref<1x1x10x784xf32, #tpu.memory_space<hbm>>
          %dma_start3A_58 = tpu.memref_squeeze %dma_start3A_57 : memref<1x1x10x784xf32, #tpu.memory_space<hbm>> -> memref<10x784xf32, #tpu.memory_space<hbm>>
          %dma_start3A_59 = arith.constant 0 : i32
          %dma_start3A_60 = tpu.memref_slice %arg2[%scan3A_28, %add3A, %dma_start3A_59, %mul3A_37] : memref<16x32x10x3136xf32, #tpu.memory_space<hbm>> -> memref<1x1x10x784xf32, #tpu.memory_space<hbm>>
          %dma_start3A_61 = tpu.memref_squeeze %dma_start3A_60 : memref<1x1x10x784xf32, #tpu.memory_space<hbm>> -> memref<10x784xf32, #tpu.memory_space<hbm>>
          tpu.enqueue_dma source(%dma_start3A_61 : memref<10x784xf32, #tpu.memory_space<hbm>>) target(%arg6 : memref<10x784xf32, #tpu.memory_space<vmem>>) target_semaphore(%run_scoped3A : memref<!tpu.dma_semaphore, #tpu.memory_space<semaphore_mem>>)
          %dma_wait3A = arith.constant 0 : i32
          %dma_wait3A_62 = tpu.memref_slice %arg2[%scan3A_28, %add3A, %dma_wait3A, %mul3A_37] : memref<16x32x10x3136xf32, #tpu.memory_space<hbm>> -> memref<1x1x10x784xf32, #tpu.memory_space<hbm>>
          %dma_wait3A_63 = tpu.memref_squeeze %dma_wait3A_62 : memref<1x1x10x784xf32, #tpu.memory_space<hbm>> -> memref<10x784xf32, #tpu.memory_space<hbm>>
          %dma_wait3A_64 = arith.constant 0 : i32
          %dma_wait3A_65 = tpu.memref_slice %arg2[%scan3A_28, %add3A, %dma_wait3A_64, %mul3A_37] : memref<16x32x10x3136xf32, #tpu.memory_space<hbm>> -> memref<1x1x10x784xf32, #tpu.memory_space<hbm>>
          %dma_wait3A_66 = tpu.memref_squeeze %dma_wait3A_65 : memref<1x1x10x784xf32, #tpu.memory_space<hbm>> -> memref<10x784xf32, #tpu.memory_space<hbm>>
          tpu.wait_dma2 semaphore(%run_scoped3A : memref<!tpu.dma_semaphore, #tpu.memory_space<semaphore_mem>>) src(%dma_wait3A_66 : memref<10x784xf32, #tpu.memory_space<hbm>>) dst(%arg6 : memref<10x784xf32, #tpu.memory_space<vmem>>)
          tpu.yield
        }) : () -> ()
        %scan3A_38 = arith.constant 0 : i32
        %scan3A_39 = arith.constant 0 : i32
        %scan3A_40 = arith.constant 49 : i32
        %scan3A_41 = arith.addi %scan3A_39, %scan3A_40 : i32
        %scan3A_42 = arith.constant 1 : i32
        scf.for %scan3A_57 = %scan3A_39 to %scan3A_41 step %scan3A_42  : i32 {
          %mul3A_58 = arith.constant 16 : i32
          %mul3A_59 = arith.muli %scan3A_57, %mul3A_58 : i32
          %get3A = arith.constant 0 : i32
          %get3A_60 = arith.index_cast %get3A : i32 to index
          %get3A_61 = arith.index_cast %mul3A_59 : i32 to index
          %get3A_62 = tpu.vector_load %arg6[%get3A_60, %get3A_61] {strides = array<i32>} : memref<10x784xf32, #tpu.memory_space<vmem>>, vector<16xf32>,
          %get3A_63 = arith.constant 1 : i32
          %get3A_64 = arith.index_cast %get3A_63 : i32 to index
          %get3A_65 = arith.index_cast %mul3A_59 : i32 to index
          %get3A_66 = tpu.vector_load %arg6[%get3A_64, %get3A_65] {strides = array<i32>} : memref<10x784xf32, #tpu.memory_space<vmem>>, vector<16xf32>,
          %get3A_67 = arith.constant 2 : i32
          %get3A_68 = arith.index_cast %get3A_67 : i32 to index
          %get3A_69 = arith.index_cast %mul3A_59 : i32 to index
          %get3A_70 = tpu.vector_load %arg6[%get3A_68, %get3A_69] {strides = array<i32>} : memref<10x784xf32, #tpu.memory_space<vmem>>, vector<16xf32>,
          %get3A_71 = arith.constant 3 : i32
          %get3A_72 = arith.index_cast %get3A_71 : i32 to index
          %get3A_73 = arith.index_cast %mul3A_59 : i32 to index
          %get3A_74 = tpu.vector_load %arg6[%get3A_72, %get3A_73] {strides = array<i32>} : memref<10x784xf32, #tpu.memory_space<vmem>>, vector<16xf32>,
          %get3A_75 = arith.constant 4 : i32
          %get3A_76 = arith.index_cast %get3A_75 : i32 to index
          %get3A_77 = arith.index_cast %mul3A_59 : i32 to index
          %get3A_78 = tpu.vector_load %arg6[%get3A_76, %get3A_77] {strides = array<i32>} : memref<10x784xf32, #tpu.memory_space<vmem>>, vector<16xf32>,
          %get3A_79 = arith.constant 5 : i32
          %get3A_80 = arith.index_cast %get3A_79 : i32 to index
          %get3A_81 = arith.index_cast %mul3A_59 : i32 to index
          %get3A_82 = tpu.vector_load %arg6[%get3A_80, %get3A_81] {strides = array<i32>} : memref<10x784xf32, #tpu.memory_space<vmem>>, vector<16xf32>,
          %get3A_83 = arith.constant 6 : i32
          %get3A_84 = arith.index_cast %get3A_83 : i32 to index
          %get3A_85 = arith.index_cast %mul3A_59 : i32 to index
          %get3A_86 = tpu.vector_load %arg6[%get3A_84, %get3A_85] {strides = array<i32>} : memref<10x784xf32, #tpu.memory_space<vmem>>, vector<16xf32>,
          %get3A_87 = arith.constant 7 : i32
          %get3A_88 = arith.index_cast %get3A_87 : i32 to index
          %get3A_89 = arith.index_cast %mul3A_59 : i32 to index
          %get3A_90 = tpu.vector_load %arg6[%get3A_88, %get3A_89] {strides = array<i32>} : memref<10x784xf32, #tpu.memory_space<vmem>>, vector<16xf32>,
          %get3A_91 = arith.constant 8 : i32
          %get3A_92 = arith.index_cast %get3A_91 : i32 to index
          %get3A_93 = arith.index_cast %mul3A_59 : i32 to index
          %get3A_94 = tpu.vector_load %arg6[%get3A_92, %get3A_93] {strides = array<i32>} : memref<10x784xf32, #tpu.memory_space<vmem>>, vector<16xf32>,
          %get3A_95 = arith.constant 9 : i32
          %get3A_96 = arith.index_cast %get3A_95 : i32 to index
          %get3A_97 = arith.index_cast %mul3A_59 : i32 to index
          %get3A_98 = tpu.vector_load %arg6[%get3A_96, %get3A_97] {strides = array<i32>} : memref<10x784xf32, #tpu.memory_space<vmem>>, vector<16xf32>,
          %broadcast_in_dim3A = arith.constant 5.000000e-01 : f32
          %broadcast_in_dim3A_99 = vector.broadcast %broadcast_in_dim3A : f32 to vector<16xf32>
          %broadcast_in_dim3A_100 = arith.constant 0 : i32
          %broadcast_in_dim3A_101 = vector.broadcast %broadcast_in_dim3A_100 : i32 to vector<16xi32>
          %ge3A = arith.cmpf oge, %get3A_62, %broadcast_in_dim3A_99 : vector<16xf32>
          %broadcast_in_dim3A_102 = arith.constant 512 : i32
          %broadcast_in_dim3A_103 = vector.broadcast %broadcast_in_dim3A_102 : i32 to vector<16xi32>
          %broadcast_in_dim3A_104 = arith.constant 0 : i32
          %broadcast_in_dim3A_105 = vector.broadcast %broadcast_in_dim3A_104 : i32 to vector<16xi32>
          %select_n3A = arith.select %ge3A, %broadcast_in_dim3A_103, %broadcast_in_dim3A_105 : vector<16xi1>, vector<16xi32>
          %or3A = arith.ori %broadcast_in_dim3A_101, %select_n3A : vector<16xi32>
          %ge3A_106 = arith.cmpf oge, %get3A_66, %broadcast_in_dim3A_99 : vector<16xf32>
          %broadcast_in_dim3A_107 = arith.constant 256 : i32
          %broadcast_in_dim3A_108 = vector.broadcast %broadcast_in_dim3A_107 : i32 to vector<16xi32>
          %broadcast_in_dim3A_109 = arith.constant 0 : i32
          %broadcast_in_dim3A_110 = vector.broadcast %broadcast_in_dim3A_109 : i32 to vector<16xi32>
          %select_n3A_111 = arith.select %ge3A_106, %broadcast_in_dim3A_108, %broadcast_in_dim3A_110 : vector<16xi1>, vector<16xi32>
          %or3A_112 = arith.ori %or3A, %select_n3A_111 : vector<16xi32>
          %ge3A_113 = arith.cmpf oge, %get3A_70, %broadcast_in_dim3A_99 : vector<16xf32>
          %broadcast_in_dim3A_114 = arith.constant 128 : i32
          %broadcast_in_dim3A_115 = vector.broadcast %broadcast_in_dim3A_114 : i32 to vector<16xi32>
          %broadcast_in_dim3A_116 = arith.constant 0 : i32
          %broadcast_in_dim3A_117 = vector.broadcast %broadcast_in_dim3A_116 : i32 to vector<16xi32>
          %select_n3A_118 = arith.select %ge3A_113, %broadcast_in_dim3A_115, %broadcast_in_dim3A_117 : vector<16xi1>, vector<16xi32>
          %or3A_119 = arith.ori %or3A_112, %select_n3A_118 : vector<16xi32>
          %ge3A_120 = arith.cmpf oge, %get3A_74, %broadcast_in_dim3A_99 : vector<16xf32>
          %broadcast_in_dim3A_121 = arith.constant 64 : i32
          %broadcast_in_dim3A_122 = vector.broadcast %broadcast_in_dim3A_121 : i32 to vector<16xi32>
          %broadcast_in_dim3A_123 = arith.constant 0 : i32
          %broadcast_in_dim3A_124 = vector.broadcast %broadcast_in_dim3A_123 : i32 to vector<16xi32>
          %select_n3A_125 = arith.select %ge3A_120, %broadcast_in_dim3A_122, %broadcast_in_dim3A_124 : vector<16xi1>, vector<16xi32>
          %or3A_126 = arith.ori %or3A_119, %select_n3A_125 : vector<16xi32>
          %ge3A_127 = arith.cmpf oge, %get3A_78, %broadcast_in_dim3A_99 : vector<16xf32>
          %broadcast_in_dim3A_128 = arith.constant 32 : i32
          %broadcast_in_dim3A_129 = vector.broadcast %broadcast_in_dim3A_128 : i32 to vector<16xi32>
          %broadcast_in_dim3A_130 = arith.constant 0 : i32
          %broadcast_in_dim3A_131 = vector.broadcast %broadcast_in_dim3A_130 : i32 to vector<16xi32>
          %select_n3A_132 = arith.select %ge3A_127, %broadcast_in_dim3A_129, %broadcast_in_dim3A_131 : vector<16xi1>, vector<16xi32>
          %or3A_133 = arith.ori %or3A_126, %select_n3A_132 : vector<16xi32>
          %ge3A_134 = arith.cmpf oge, %get3A_82, %broadcast_in_dim3A_99 : vector<16xf32>
          %broadcast_in_dim3A_135 = arith.constant 16 : i32
          %broadcast_in_dim3A_136 = vector.broadcast %broadcast_in_dim3A_135 : i32 to vector<16xi32>
          %broadcast_in_dim3A_137 = arith.constant 0 : i32
          %broadcast_in_dim3A_138 = vector.broadcast %broadcast_in_dim3A_137 : i32 to vector<16xi32>
          %select_n3A_139 = arith.select %ge3A_134, %broadcast_in_dim3A_136, %broadcast_in_dim3A_138 : vector<16xi1>, vector<16xi32>
          %or3A_140 = arith.ori %or3A_133, %select_n3A_139 : vector<16xi32>
          %ge3A_141 = arith.cmpf oge, %get3A_86, %broadcast_in_dim3A_99 : vector<16xf32>
          %broadcast_in_dim3A_142 = arith.constant 8 : i32
          %broadcast_in_dim3A_143 = vector.broadcast %broadcast_in_dim3A_142 : i32 to vector<16xi32>
          %broadcast_in_dim3A_144 = arith.constant 0 : i32
          %broadcast_in_dim3A_145 = vector.broadcast %broadcast_in_dim3A_144 : i32 to vector<16xi32>
          %select_n3A_146 = arith.select %ge3A_141, %broadcast_in_dim3A_143, %broadcast_in_dim3A_145 : vector<16xi1>, vector<16xi32>
          %or3A_147 = arith.ori %or3A_140, %select_n3A_146 : vector<16xi32>
          %ge3A_148 = arith.cmpf oge, %get3A_90, %broadcast_in_dim3A_99 : vector<16xf32>
          %broadcast_in_dim3A_149 = arith.constant 4 : i32
          %broadcast_in_dim3A_150 = vector.broadcast %broadcast_in_dim3A_149 : i32 to vector<16xi32>
          %broadcast_in_dim3A_151 = arith.constant 0 : i32
          %broadcast_in_dim3A_152 = vector.broadcast %broadcast_in_dim3A_151 : i32 to vector<16xi32>
          %select_n3A_153 = arith.select %ge3A_148, %broadcast_in_dim3A_150, %broadcast_in_dim3A_152 : vector<16xi1>, vector<16xi32>
          %or3A_154 = arith.ori %or3A_147, %select_n3A_153 : vector<16xi32>
          %ge3A_155 = arith.cmpf oge, %get3A_94, %broadcast_in_dim3A_99 : vector<16xf32>
          %broadcast_in_dim3A_156 = arith.constant 2 : i32
          %broadcast_in_dim3A_157 = vector.broadcast %broadcast_in_dim3A_156 : i32 to vector<16xi32>
          %broadcast_in_dim3A_158 = arith.constant 0 : i32
          %broadcast_in_dim3A_159 = vector.broadcast %broadcast_in_dim3A_158 : i32 to vector<16xi32>
          %select_n3A_160 = arith.select %ge3A_155, %broadcast_in_dim3A_157, %broadcast_in_dim3A_159 : vector<16xi1>, vector<16xi32>
          %or3A_161 = arith.ori %or3A_154, %select_n3A_160 : vector<16xi32>
          %ge3A_162 = arith.cmpf oge, %get3A_98, %broadcast_in_dim3A_99 : vector<16xf32>
          %broadcast_in_dim3A_163 = arith.constant 1 : i32
          %broadcast_in_dim3A_164 = vector.broadcast %broadcast_in_dim3A_163 : i32 to vector<16xi32>
          %broadcast_in_dim3A_165 = arith.constant 0 : i32
          %broadcast_in_dim3A_166 = vector.broadcast %broadcast_in_dim3A_165 : i32 to vector<16xi32>
          %select_n3A_167 = arith.select %ge3A_162, %broadcast_in_dim3A_164, %broadcast_in_dim3A_166 : vector<16xi1>, vector<16xi32>
          %or3A_168 = arith.ori %or3A_161, %select_n3A_167 : vector<16xi32>
          %sub3A = arith.subf %get3A_62, %broadcast_in_dim3A_99 : vector<16xf32>
          %abs3A = math.absf %sub3A : vector<16xf32>
          %sub3A_169 = arith.subf %get3A_66, %broadcast_in_dim3A_99 : vector<16xf32>
          %abs3A_170 = math.absf %sub3A_169 : vector<16xf32>
          %sub3A_171 = arith.subf %get3A_70, %broadcast_in_dim3A_99 : vector<16xf32>
          %abs3A_172 = math.absf %sub3A_171 : vector<16xf32>
          %sub3A_173 = arith.subf %get3A_74, %broadcast_in_dim3A_99 : vector<16xf32>
          %abs3A_174 = math.absf %sub3A_173 : vector<16xf32>
          %sub3A_175 = arith.subf %get3A_78, %broadcast_in_dim3A_99 : vector<16xf32>
          %abs3A_176 = math.absf %sub3A_175 : vector<16xf32>
          %sub3A_177 = arith.subf %get3A_82, %broadcast_in_dim3A_99 : vector<16xf32>
          %abs3A_178 = math.absf %sub3A_177 : vector<16xf32>
          %sub3A_179 = arith.subf %get3A_86, %broadcast_in_dim3A_99 : vector<16xf32>
          %abs3A_180 = math.absf %sub3A_179 : vector<16xf32>
          %sub3A_181 = arith.subf %get3A_90, %broadcast_in_dim3A_99 : vector<16xf32>
          %abs3A_182 = math.absf %sub3A_181 : vector<16xf32>
          %sub3A_183 = arith.subf %get3A_94, %broadcast_in_dim3A_99 : vector<16xf32>
          %abs3A_184 = math.absf %sub3A_183 : vector<16xf32>
          %sub3A_185 = arith.subf %get3A_98, %broadcast_in_dim3A_99 : vector<16xf32>
          %abs3A_186 = math.absf %sub3A_185 : vector<16xf32>
          %broadcast_in_dim3A_187 = arith.constant 0 : i32
          %broadcast_in_dim3A_188 = vector.broadcast %broadcast_in_dim3A_187 : i32 to vector<16xi32>
          %lt3A = arith.cmpf olt, %abs3A_170, %abs3A : vector<16xf32>
          %select_n3A_189 = arith.select %lt3A, %abs3A_170, %abs3A : vector<16xi1>, vector<16xf32>
          %broadcast_in_dim3A_190 = arith.constant 1 : i32
          %broadcast_in_dim3A_191 = vector.broadcast %broadcast_in_dim3A_190 : i32 to vector<16xi32>
          %select_n3A_192 = arith.select %lt3A, %broadcast_in_dim3A_191, %broadcast_in_dim3A_188 : vector<16xi1>, vector<16xi32>
          %select_n3A_193 = arith.select %lt3A, %get3A_66, %get3A_62 : vector<16xi1>, vector<16xf32>
          %lt3A_194 = arith.cmpf olt, %abs3A_172, %select_n3A_189 : vector<16xf32>
          %select_n3A_195 = arith.select %lt3A_194, %abs3A_172, %select_n3A_189 : vector<16xi1>, vector<16xf32>
          %broadcast_in_dim3A_196 = arith.constant 2 : i32
          %broadcast_in_dim3A_197 = vector.broadcast %broadcast_in_dim3A_196 : i32 to vector<16xi32>
          %select_n3A_198 = arith.select %lt3A_194, %broadcast_in_dim3A_197, %select_n3A_192 : vector<16xi1>, vector<16xi32>
          %select_n3A_199 = arith.select %lt3A_194, %get3A_70, %select_n3A_193 : vector<16xi1>, vector<16xf32>
          %lt3A_200 = arith.cmpf olt, %abs3A_174, %select_n3A_195 : vector<16xf32>
          %select_n3A_201 = arith.select %lt3A_200, %abs3A_174, %select_n3A_195 : vector<16xi1>, vector<16xf32>
          %broadcast_in_dim3A_202 = arith.constant 3 : i32
          %broadcast_in_dim3A_203 = vector.broadcast %broadcast_in_dim3A_202 : i32 to vector<16xi32>
          %select_n3A_204 = arith.select %lt3A_200, %broadcast_in_dim3A_203, %select_n3A_198 : vector<16xi1>, vector<16xi32>
          %select_n3A_205 = arith.select %lt3A_200, %get3A_74, %select_n3A_199 : vector<16xi1>, vector<16xf32>
          %lt3A_206 = arith.cmpf olt, %abs3A_176, %select_n3A_201 : vector<16xf32>
          %select_n3A_207 = arith.select %lt3A_206, %abs3A_176, %select_n3A_201 : vector<16xi1>, vector<16xf32>
          %broadcast_in_dim3A_208 = arith.constant 4 : i32
          %broadcast_in_dim3A_209 = vector.broadcast %broadcast_in_dim3A_208 : i32 to vector<16xi32>
          %select_n3A_210 = arith.select %lt3A_206, %broadcast_in_dim3A_209, %select_n3A_204 : vector<16xi1>, vector<16xi32>
          %select_n3A_211 = arith.select %lt3A_206, %get3A_78, %select_n3A_205 : vector<16xi1>, vector<16xf32>
          %lt3A_212 = arith.cmpf olt, %abs3A_178, %select_n3A_207 : vector<16xf32>
          %select_n3A_213 = arith.select %lt3A_212, %abs3A_178, %select_n3A_207 : vector<16xi1>, vector<16xf32>
          %broadcast_in_dim3A_214 = arith.constant 5 : i32
          %broadcast_in_dim3A_215 = vector.broadcast %broadcast_in_dim3A_214 : i32 to vector<16xi32>
          %select_n3A_216 = arith.select %lt3A_212, %broadcast_in_dim3A_215, %select_n3A_210 : vector<16xi1>, vector<16xi32>
          %select_n3A_217 = arith.select %lt3A_212, %get3A_82, %select_n3A_211 : vector<16xi1>, vector<16xf32>
          %lt3A_218 = arith.cmpf olt, %abs3A_180, %select_n3A_213 : vector<16xf32>
          %select_n3A_219 = arith.select %lt3A_218, %abs3A_180, %select_n3A_213 : vector<16xi1>, vector<16xf32>
          %broadcast_in_dim3A_220 = arith.constant 6 : i32
          %broadcast_in_dim3A_221 = vector.broadcast %broadcast_in_dim3A_220 : i32 to vector<16xi32>
          %select_n3A_222 = arith.select %lt3A_218, %broadcast_in_dim3A_221, %select_n3A_216 : vector<16xi1>, vector<16xi32>
          %select_n3A_223 = arith.select %lt3A_218, %get3A_86, %select_n3A_217 : vector<16xi1>, vector<16xf32>
          %lt3A_224 = arith.cmpf olt, %abs3A_182, %select_n3A_219 : vector<16xf32>
          %select_n3A_225 = arith.select %lt3A_224, %abs3A_182, %select_n3A_219 : vector<16xi1>, vector<16xf32>
          %broadcast_in_dim3A_226 = arith.constant 7 : i32
          %broadcast_in_dim3A_227 = vector.broadcast %broadcast_in_dim3A_226 : i32 to vector<16xi32>
          %select_n3A_228 = arith.select %lt3A_224, %broadcast_in_dim3A_227, %select_n3A_222 : vector<16xi1>, vector<16xi32>
          %select_n3A_229 = arith.select %lt3A_224, %get3A_90, %select_n3A_223 : vector<16xi1>, vector<16xf32>
          %lt3A_230 = arith.cmpf olt, %abs3A_184, %select_n3A_225 : vector<16xf32>
          %select_n3A_231 = arith.select %lt3A_230, %abs3A_184, %select_n3A_225 : vector<16xi1>, vector<16xf32>
          %broadcast_in_dim3A_232 = arith.constant 8 : i32
          %broadcast_in_dim3A_233 = vector.broadcast %broadcast_in_dim3A_232 : i32 to vector<16xi32>
          %select_n3A_234 = arith.select %lt3A_230, %broadcast_in_dim3A_233, %select_n3A_228 : vector<16xi1>, vector<16xi32>
          %select_n3A_235 = arith.select %lt3A_230, %get3A_94, %select_n3A_229 : vector<16xi1>, vector<16xf32>
          %lt3A_236 = arith.cmpf olt, %abs3A_186, %select_n3A_231 : vector<16xf32>
          %select_n3A_237 = arith.select %lt3A_236, %abs3A_186, %select_n3A_231 : vector<16xi1>, vector<16xf32>
          %broadcast_in_dim3A_238 = arith.constant 9 : i32
          %broadcast_in_dim3A_239 = vector.broadcast %broadcast_in_dim3A_238 : i32 to vector<16xi32>
          %select_n3A_240 = arith.select %lt3A_236, %broadcast_in_dim3A_239, %select_n3A_234 : vector<16xi1>, vector<16xi32>
          %select_n3A_241 = arith.select %lt3A_236, %get3A_98, %select_n3A_235 : vector<16xi1>, vector<16xf32>
          %broadcast_in_dim3A_242 = arith.constant 1.000000e+00 : f32
          %broadcast_in_dim3A_243 = vector.broadcast %broadcast_in_dim3A_242 : f32 to vector<16xf32>
          %broadcast_in_dim3A_244 = arith.constant 0.000000e+00 : f32
          %broadcast_in_dim3A_245 = vector.broadcast %broadcast_in_dim3A_244 : f32 to vector<16xf32>
          %broadcast_in_dim3A_246 = arith.constant 0 : i32
          %broadcast_in_dim3A_247 = vector.broadcast %broadcast_in_dim3A_246 : i32 to vector<16xi32>
          %eq3A_248 = arith.cmpi eq, %select_n3A_240, %broadcast_in_dim3A_247 : vector<16xi32>
          %select_n3A_249 = arith.select %eq3A_248, %broadcast_in_dim3A_243, %broadcast_in_dim3A_245 : vector<16xi1>, vector<16xf32>
          %add3A_250 = arith.addf %abs3A, %select_n3A_249 : vector<16xf32>
          %broadcast_in_dim3A_251 = arith.constant 0 : i32
          %broadcast_in_dim3A_252 = vector.broadcast %broadcast_in_dim3A_251 : i32 to vector<16xi32>
          %broadcast_in_dim3A_253 = arith.constant 1 : i32
          %broadcast_in_dim3A_254 = vector.broadcast %broadcast_in_dim3A_253 : i32 to vector<16xi32>
          %eq3A_255 = arith.cmpi eq, %select_n3A_240, %broadcast_in_dim3A_254 : vector<16xi32>
          %select_n3A_256 = arith.select %eq3A_255, %broadcast_in_dim3A_243, %broadcast_in_dim3A_245 : vector<16xi1>, vector<16xf32>
          %add3A_257 = arith.addf %abs3A_170, %select_n3A_256 : vector<16xf32>
          %lt3A_258 = arith.cmpf olt, %add3A_257, %add3A_250 : vector<16xf32>
          %select_n3A_259 = arith.select %lt3A_258, %add3A_257, %add3A_250 : vector<16xi1>, vector<16xf32>
          %broadcast_in_dim3A_260 = arith.constant 1 : i32
          %broadcast_in_dim3A_261 = vector.broadcast %broadcast_in_dim3A_260 : i32 to vector<16xi32>
          %select_n3A_262 = arith.select %lt3A_258, %broadcast_in_dim3A_261, %broadcast_in_dim3A_252 : vector<16xi1>, vector<16xi32>
          %select_n3A_263 = arith.select %lt3A_258, %get3A_66, %get3A_62 : vector<16xi1>, vector<16xf32>
          %broadcast_in_dim3A_264 = arith.constant 2 : i32
          %broadcast_in_dim3A_265 = vector.broadcast %broadcast_in_dim3A_264 : i32 to vector<16xi32>
          %eq3A_266 = arith.cmpi eq, %select_n3A_240, %broadcast_in_dim3A_265 : vector<16xi32>
          %select_n3A_267 = arith.select %eq3A_266, %broadcast_in_dim3A_243, %broadcast_in_dim3A_245 : vector<16xi1>, vector<16xf32>
          %add3A_268 = arith.addf %abs3A_172, %select_n3A_267 : vector<16xf32>
          %lt3A_269 = arith.cmpf olt, %add3A_268, %select_n3A_259 : vector<16xf32>
          %select_n3A_270 = arith.select %lt3A_269, %add3A_268, %select_n3A_259 : vector<16xi1>, vector<16xf32>
          %broadcast_in_dim3A_271 = arith.constant 2 : i32
          %broadcast_in_dim3A_272 = vector.broadcast %broadcast_in_dim3A_271 : i32 to vector<16xi32>
          %select_n3A_273 = arith.select %lt3A_269, %broadcast_in_dim3A_272, %select_n3A_262 : vector<16xi1>, vector<16xi32>
          %select_n3A_274 = arith.select %lt3A_269, %get3A_70, %select_n3A_263 : vector<16xi1>, vector<16xf32>
          %broadcast_in_dim3A_275 = arith.constant 3 : i32
          %broadcast_in_dim3A_276 = vector.broadcast %broadcast_in_dim3A_275 : i32 to vector<16xi32>
          %eq3A_277 = arith.cmpi eq, %select_n3A_240, %broadcast_in_dim3A_276 : vector<16xi32>
          %select_n3A_278 = arith.select %eq3A_277, %broadcast_in_dim3A_243, %broadcast_in_dim3A_245 : vector<16xi1>, vector<16xf32>
          %add3A_279 = arith.addf %abs3A_174, %select_n3A_278 : vector<16xf32>
          %lt3A_280 = arith.cmpf olt, %add3A_279, %select_n3A_270 : vector<16xf32>
          %select_n3A_281 = arith.select %lt3A_280, %add3A_279, %select_n3A_270 : vector<16xi1>, vector<16xf32>
          %broadcast_in_dim3A_282 = arith.constant 3 : i32
          %broadcast_in_dim3A_283 = vector.broadcast %broadcast_in_dim3A_282 : i32 to vector<16xi32>
          %select_n3A_284 = arith.select %lt3A_280, %broadcast_in_dim3A_283, %select_n3A_273 : vector<16xi1>, vector<16xi32>
          %select_n3A_285 = arith.select %lt3A_280, %get3A_74, %select_n3A_274 : vector<16xi1>, vector<16xf32>
          %broadcast_in_dim3A_286 = arith.constant 4 : i32
          %broadcast_in_dim3A_287 = vector.broadcast %broadcast_in_dim3A_286 : i32 to vector<16xi32>
          %eq3A_288 = arith.cmpi eq, %select_n3A_240, %broadcast_in_dim3A_287 : vector<16xi32>
          %select_n3A_289 = arith.select %eq3A_288, %broadcast_in_dim3A_243, %broadcast_in_dim3A_245 : vector<16xi1>, vector<16xf32>
          %add3A_290 = arith.addf %abs3A_176, %select_n3A_289 : vector<16xf32>
          %lt3A_291 = arith.cmpf olt, %add3A_290, %select_n3A_281 : vector<16xf32>
          %select_n3A_292 = arith.select %lt3A_291, %add3A_290, %select_n3A_281 : vector<16xi1>, vector<16xf32>
          %broadcast_in_dim3A_293 = arith.constant 4 : i32
          %broadcast_in_dim3A_294 = vector.broadcast %broadcast_in_dim3A_293 : i32 to vector<16xi32>
          %select_n3A_295 = arith.select %lt3A_291, %broadcast_in_dim3A_294, %select_n3A_284 : vector<16xi1>, vector<16xi32>
          %select_n3A_296 = arith.select %lt3A_291, %get3A_78, %select_n3A_285 : vector<16xi1>, vector<16xf32>
          %broadcast_in_dim3A_297 = arith.constant 5 : i32
          %broadcast_in_dim3A_298 = vector.broadcast %broadcast_in_dim3A_297 : i32 to vector<16xi32>
          %eq3A_299 = arith.cmpi eq, %select_n3A_240, %broadcast_in_dim3A_298 : vector<16xi32>
          %select_n3A_300 = arith.select %eq3A_299, %broadcast_in_dim3A_243, %broadcast_in_dim3A_245 : vector<16xi1>, vector<16xf32>
          %add3A_301 = arith.addf %abs3A_178, %select_n3A_300 : vector<16xf32>
          %lt3A_302 = arith.cmpf olt, %add3A_301, %select_n3A_292 : vector<16xf32>
          %select_n3A_303 = arith.select %lt3A_302, %add3A_301, %select_n3A_292 : vector<16xi1>, vector<16xf32>
          %broadcast_in_dim3A_304 = arith.constant 5 : i32
          %broadcast_in_dim3A_305 = vector.broadcast %broadcast_in_dim3A_304 : i32 to vector<16xi32>
          %select_n3A_306 = arith.select %lt3A_302, %broadcast_in_dim3A_305, %select_n3A_295 : vector<16xi1>, vector<16xi32>
          %select_n3A_307 = arith.select %lt3A_302, %get3A_82, %select_n3A_296 : vector<16xi1>, vector<16xf32>
          %broadcast_in_dim3A_308 = arith.constant 6 : i32
          %broadcast_in_dim3A_309 = vector.broadcast %broadcast_in_dim3A_308 : i32 to vector<16xi32>
          %eq3A_310 = arith.cmpi eq, %select_n3A_240, %broadcast_in_dim3A_309 : vector<16xi32>
          %select_n3A_311 = arith.select %eq3A_310, %broadcast_in_dim3A_243, %broadcast_in_dim3A_245 : vector<16xi1>, vector<16xf32>
          %add3A_312 = arith.addf %abs3A_180, %select_n3A_311 : vector<16xf32>
          %lt3A_313 = arith.cmpf olt, %add3A_312, %select_n3A_303 : vector<16xf32>
          %select_n3A_314 = arith.select %lt3A_313, %add3A_312, %select_n3A_303 : vector<16xi1>, vector<16xf32>
          %broadcast_in_dim3A_315 = arith.constant 6 : i32
          %broadcast_in_dim3A_316 = vector.broadcast %broadcast_in_dim3A_315 : i32 to vector<16xi32>
          %select_n3A_317 = arith.select %lt3A_313, %broadcast_in_dim3A_316, %select_n3A_306 : vector<16xi1>, vector<16xi32>
          %select_n3A_318 = arith.select %lt3A_313, %get3A_86, %select_n3A_307 : vector<16xi1>, vector<16xf32>
          %broadcast_in_dim3A_319 = arith.constant 7 : i32
          %broadcast_in_dim3A_320 = vector.broadcast %broadcast_in_dim3A_319 : i32 to vector<16xi32>
          %eq3A_321 = arith.cmpi eq, %select_n3A_240, %broadcast_in_dim3A_320 : vector<16xi32>
          %select_n3A_322 = arith.select %eq3A_321, %broadcast_in_dim3A_243, %broadcast_in_dim3A_245 : vector<16xi1>, vector<16xf32>
          %add3A_323 = arith.addf %abs3A_182, %select_n3A_322 : vector<16xf32>
          %lt3A_324 = arith.cmpf olt, %add3A_323, %select_n3A_314 : vector<16xf32>
          %select_n3A_325 = arith.select %lt3A_324, %add3A_323, %select_n3A_314 : vector<16xi1>, vector<16xf32>
          %broadcast_in_dim3A_326 = arith.constant 7 : i32
          %broadcast_in_dim3A_327 = vector.broadcast %broadcast_in_dim3A_326 : i32 to vector<16xi32>
          %select_n3A_328 = arith.select %lt3A_324, %broadcast_in_dim3A_327, %select_n3A_317 : vector<16xi1>, vector<16xi32>
          %select_n3A_329 = arith.select %lt3A_324, %get3A_90, %select_n3A_318 : vector<16xi1>, vector<16xf32>
          %broadcast_in_dim3A_330 = arith.constant 8 : i32
          %broadcast_in_dim3A_331 = vector.broadcast %broadcast_in_dim3A_330 : i32 to vector<16xi32>
          %eq3A_332 = arith.cmpi eq, %select_n3A_240, %broadcast_in_dim3A_331 : vector<16xi32>
          %select_n3A_333 = arith.select %eq3A_332, %broadcast_in_dim3A_243, %broadcast_in_dim3A_245 : vector<16xi1>, vector<16xf32>
          %add3A_334 = arith.addf %abs3A_184, %select_n3A_333 : vector<16xf32>
          %lt3A_335 = arith.cmpf olt, %add3A_334, %select_n3A_325 : vector<16xf32>
          %select_n3A_336 = arith.select %lt3A_335, %add3A_334, %select_n3A_325 : vector<16xi1>, vector<16xf32>
          %broadcast_in_dim3A_337 = arith.constant 8 : i32
          %broadcast_in_dim3A_338 = vector.broadcast %broadcast_in_dim3A_337 : i32 to vector<16xi32>
          %select_n3A_339 = arith.select %lt3A_335, %broadcast_in_dim3A_338, %select_n3A_328 : vector<16xi1>, vector<16xi32>
          %select_n3A_340 = arith.select %lt3A_335, %get3A_94, %select_n3A_329 : vector<16xi1>, vector<16xf32>
          %broadcast_in_dim3A_341 = arith.constant 9 : i32
          %broadcast_in_dim3A_342 = vector.broadcast %broadcast_in_dim3A_341 : i32 to vector<16xi32>
          %eq3A_343 = arith.cmpi eq, %select_n3A_240, %broadcast_in_dim3A_342 : vector<16xi32>
          %select_n3A_344 = arith.select %eq3A_343, %broadcast_in_dim3A_243, %broadcast_in_dim3A_245 : vector<16xi1>, vector<16xf32>
          %add3A_345 = arith.addf %abs3A_186, %select_n3A_344 : vector<16xf32>
          %lt3A_346 = arith.cmpf olt, %add3A_345, %select_n3A_336 : vector<16xf32>
          %select_n3A_347 = arith.select %lt3A_346, %add3A_345, %select_n3A_336 : vector<16xi1>, vector<16xf32>
          %broadcast_in_dim3A_348 = arith.constant 9 : i32
          %broadcast_in_dim3A_349 = vector.broadcast %broadcast_in_dim3A_348 : i32 to vector<16xi32>
          %select_n3A_350 = arith.select %lt3A_346, %broadcast_in_dim3A_349, %select_n3A_339 : vector<16xi1>, vector<16xi32>
          %select_n3A_351 = arith.select %lt3A_346, %get3A_98, %select_n3A_340 : vector<16xi1>, vector<16xf32>
          %broadcast_in_dim3A_352 = arith.constant 1 : i32
          %broadcast_in_dim3A_353 = vector.broadcast %broadcast_in_dim3A_352 : i32 to vector<16xi32>
          %broadcast_in_dim3A_354 = arith.constant 9 : i32
          %broadcast_in_dim3A_355 = vector.broadcast %broadcast_in_dim3A_354 : i32 to vector<16xi32>
          %sub3A_356 = arith.subi %broadcast_in_dim3A_355, %select_n3A_240 : vector<16xi32>
          %shift_left3A = arith.shli %broadcast_in_dim3A_353, %sub3A_356 : vector<16xi32>
          %broadcast_in_dim3A_357 = arith.constant 9 : i32
          %broadcast_in_dim3A_358 = vector.broadcast %broadcast_in_dim3A_357 : i32 to vector<16xi32>
          %sub3A_359 = arith.subi %broadcast_in_dim3A_358, %select_n3A_350 : vector<16xi32>
          %shift_left3A_360 = arith.shli %broadcast_in_dim3A_353, %sub3A_359 : vector<16xi32>
          %not3A = arith.constant dense<-1> : vector<16xi32>
          %not3A_361 = arith.xori %shift_left3A, %not3A : vector<16xi32>
          %not3A_362 = arith.constant dense<-1> : vector<16xi32>
          %not3A_363 = arith.xori %shift_left3A_360, %not3A_362 : vector<16xi32>
          %and3A = arith.andi %or3A_168, %not3A_361 : vector<16xi32>
          %and3A_364 = arith.andi %and3A, %not3A_363 : vector<16xi32>
          %or3A_365 = arith.ori %or3A_168, %shift_left3A : vector<16xi32>
          %and3A_366 = arith.andi %or3A_365, %not3A_363 : vector<16xi32>
          %and3A_367 = arith.andi %or3A_168, %not3A_361 : vector<16xi32>
          %or3A_368 = arith.ori %and3A_367, %shift_left3A_360 : vector<16xi32>
          %or3A_369 = arith.ori %or3A_168, %shift_left3A : vector<16xi32>
          %or3A_370 = arith.ori %or3A_369, %shift_left3A_360 : vector<16xi32>
          %sub3A_371 = arith.subf %broadcast_in_dim3A_243, %select_n3A_241 : vector<16xf32>
          %sub3A_372 = arith.subf %broadcast_in_dim3A_243, %select_n3A_351 : vector<16xf32>
          %mul3A_373 = arith.mulf %sub3A_371, %sub3A_372 : vector<16xf32>
          %sub3A_374 = arith.subf %broadcast_in_dim3A_243, %select_n3A_351 : vector<16xf32>
          %mul3A_375 = arith.mulf %select_n3A_241, %sub3A_374 : vector<16xf32>
          %sub3A_376 = arith.subf %broadcast_in_dim3A_243, %select_n3A_241 : vector<16xf32>
          %mul3A_377 = arith.mulf %sub3A_376, %select_n3A_351 : vector<16xf32>
          %mul3A_378 = arith.mulf %select_n3A_241, %select_n3A_351 : vector<16xf32>
          %parallel_loop3A = arith.constant 0 : i32
          %parallel_loop3A_379 = arith.constant 32 : i32
          %parallel_loop3A_380 = arith.constant 1 : i32
          scf.for %parallel_loop3A_381 = %parallel_loop3A to %parallel_loop3A_379 step %parallel_loop3A_380  : i32 {
            %parallel_loop3A_382 = arith.constant 1024 : i32
            %parallel_loop3A_383 = arith.muli %parallel_loop3A_381, %parallel_loop3A_382 : i32
            %parallel_loop3A_384 = vector.broadcast %parallel_loop3A_383 : i32 to vector<16xi32>
            %parallel_loop3A_385 = arith.addi %and3A_364, %parallel_loop3A_384 : vector<16xi32>
            %parallel_loop3A_386 = tpu.vector_load_idx %arg5[%parallel_loop3A_385] : memref<32768xi32, #tpu.memory_space<vmem>>[vector<16xi32>], vector<16xi32>,
            %parallel_loop3A_387 = vector.broadcast %parallel_loop3A_383 : i32 to vector<16xi32>
            %parallel_loop3A_388 = arith.addi %and3A_366, %parallel_loop3A_387 : vector<16xi32>
            %parallel_loop3A_389 = tpu.vector_load_idx %arg5[%parallel_loop3A_388] : memref<32768xi32, #tpu.memory_space<vmem>>[vector<16xi32>], vector<16xi32>,
            %parallel_loop3A_390 = vector.broadcast %parallel_loop3A_383 : i32 to vector<16xi32>
            %parallel_loop3A_391 = arith.addi %or3A_368, %parallel_loop3A_390 : vector<16xi32>
            %parallel_loop3A_392 = tpu.vector_load_idx %arg5[%parallel_loop3A_391] : memref<32768xi32, #tpu.memory_space<vmem>>[vector<16xi32>], vector<16xi32>,
            %parallel_loop3A_393 = vector.broadcast %parallel_loop3A_383 : i32 to vector<16xi32>
            %parallel_loop3A_394 = arith.addi %or3A_370, %parallel_loop3A_393 : vector<16xi32>
            %parallel_loop3A_395 = tpu.vector_load_idx %arg5[%parallel_loop3A_394] : memref<32768xi32, #tpu.memory_space<vmem>>[vector<16xi32>], vector<16xi32>,
            %parallel_loop3A_396 = vector.bitcast %parallel_loop3A_386 : vector<16xi32> to vector<32xbf16>
            %parallel_loop3A_397 = tpu.unpack_subelements %parallel_loop3A_396, 0 {pack_format = #tpu.pack_format<interleaved>} : vector<32xbf16> -> vector<16xf32>
            %parallel_loop3A_398 = tpu.unpack_subelements %parallel_loop3A_396, 1 {pack_format = #tpu.pack_format<interleaved>} : vector<32xbf16> -> vector<16xf32>
            %parallel_loop3A_399 = vector.bitcast %parallel_loop3A_389 : vector<16xi32> to vector<32xbf16>
            %parallel_loop3A_400 = tpu.unpack_subelements %parallel_loop3A_399, 0 {pack_format = #tpu.pack_format<interleaved>} : vector<32xbf16> -> vector<16xf32>
            %parallel_loop3A_401 = tpu.unpack_subelements %parallel_loop3A_399, 1 {pack_format = #tpu.pack_format<interleaved>} : vector<32xbf16> -> vector<16xf32>
            %parallel_loop3A_402 = vector.bitcast %parallel_loop3A_392 : vector<16xi32> to vector<32xbf16>
            %parallel_loop3A_403 = tpu.unpack_subelements %parallel_loop3A_402, 0 {pack_format = #tpu.pack_format<interleaved>} : vector<32xbf16> -> vector<16xf32>
            %parallel_loop3A_404 = tpu.unpack_subelements %parallel_loop3A_402, 1 {pack_format = #tpu.pack_format<interleaved>} : vector<32xbf16> -> vector<16xf32>
            %parallel_loop3A_405 = vector.bitcast %parallel_loop3A_395 : vector<16xi32> to vector<32xbf16>
            %parallel_loop3A_406 = tpu.unpack_subelements %parallel_loop3A_405, 0 {pack_format = #tpu.pack_format<interleaved>} : vector<32xbf16> -> vector<16xf32>
            %parallel_loop3A_407 = tpu.unpack_subelements %parallel_loop3A_405, 1 {pack_format = #tpu.pack_format<interleaved>} : vector<32xbf16> -> vector<16xf32>
            %parallel_loop3A_408 = arith.mulf %mul3A_373, %parallel_loop3A_397 : vector<16xf32>
            %parallel_loop3A_409 = arith.mulf %mul3A_375, %parallel_loop3A_400 : vector<16xf32>
            %parallel_loop3A_410 = arith.addf %parallel_loop3A_408, %parallel_loop3A_409 : vector<16xf32>
            %parallel_loop3A_411 = arith.mulf %mul3A_377, %parallel_loop3A_403 : vector<16xf32>
            %parallel_loop3A_412 = arith.mulf %mul3A_378, %parallel_loop3A_406 : vector<16xf32>
            %parallel_loop3A_413 = arith.addf %parallel_loop3A_411, %parallel_loop3A_412 : vector<16xf32>
            %parallel_loop3A_414 = arith.addf %parallel_loop3A_410, %parallel_loop3A_413 : vector<16xf32>
            %parallel_loop3A_415 = arith.mulf %mul3A_373, %parallel_loop3A_398 : vector<16xf32>
            %parallel_loop3A_416 = arith.mulf %mul3A_375, %parallel_loop3A_401 : vector<16xf32>
            %parallel_loop3A_417 = arith.addf %parallel_loop3A_415, %parallel_loop3A_416 : vector<16xf32>
            %parallel_loop3A_418 = arith.mulf %mul3A_377, %parallel_loop3A_404 : vector<16xf32>
            %parallel_loop3A_419 = arith.mulf %mul3A_378, %parallel_loop3A_407 : vector<16xf32>
            %parallel_loop3A_420 = arith.addf %parallel_loop3A_418, %parallel_loop3A_419 : vector<16xf32>
            %parallel_loop3A_421 = arith.addf %parallel_loop3A_417, %parallel_loop3A_420 : vector<16xf32>
            %parallel_loop3A_422 = arith.constant 2 : i32
            %parallel_loop3A_423 = arith.muli %parallel_loop3A_422, %parallel_loop3A_381 : i32
            %parallel_loop3A_424 = arith.index_cast %parallel_loop3A_423 : i32 to index
            %parallel_loop3A_425 = arith.index_cast %mul3A_59 : i32 to index
            %parallel_loop3A_426 = tpu.vector_load %arg7[%parallel_loop3A_424, %parallel_loop3A_425] {strides = array<i32>} : memref<64x784xf32, #tpu.memory_space<vmem>>, vector<16xf32>,
            tpu.vector_store %arg7[%parallel_loop3A_424, %parallel_loop3A_425], %parallel_loop3A_414 {strides = array<i32>} : memref<64x784xf32, #tpu.memory_space<vmem>>, vector<16xf32>,
            %parallel_loop3A_427 = arith.constant 2 : i32
            %parallel_loop3A_428 = arith.muli %parallel_loop3A_427, %parallel_loop3A_381 : i32
            %parallel_loop3A_429 = arith.constant 1 : i32
            %parallel_loop3A_430 = arith.addi %parallel_loop3A_428, %parallel_loop3A_429 : i32
            %parallel_loop3A_431 = arith.index_cast %parallel_loop3A_430 : i32 to index
            %parallel_loop3A_432 = arith.index_cast %mul3A_59 : i32 to index
            %parallel_loop3A_433 = tpu.vector_load %arg7[%parallel_loop3A_431, %parallel_loop3A_432] {strides = array<i32>} : memref<64x784xf32, #tpu.memory_space<vmem>>, vector<16xf32>,
            tpu.vector_store %arg7[%parallel_loop3A_431, %parallel_loop3A_432], %parallel_loop3A_421 {strides = array<i32>} : memref<64x784xf32, #tpu.memory_space<vmem>>, vector<16xf32>,
          } {sc.loop_unroll_factor = 8 : i64, sc.parallel_access}
        }
        %scan3A_43 = arith.constant 49 : i32
        %eq3A = arith.constant 0 : i32
        %eq3A_44 = arith.cmpi eq, %arg1, %eq3A : i32
        %convert_element_type3A = arith.extui %eq3A_44 : i1 to i32
        %cond3A = arith.constant 0 : i32
        %cond3A_45 = arith.cmpi ne, %convert_element_type3A, %cond3A : i32
        scf.if %cond3A_45 {
          "tpu.region"() ({
            %run_scoped3A = tpu.sem_alloc : memref<!tpu.dma_semaphore, #tpu.memory_space<semaphore_mem>>
            tpu.enqueue_dma source(%arg7 : memref<64x784xf32, #tpu.memory_space<vmem>>) target(%arg9 : memref<64x784xf32, #tpu.memory_space<vmem_shared>>) target_semaphore(%run_scoped3A : memref<!tpu.dma_semaphore, #tpu.memory_space<semaphore_mem>>)
            tpu.wait_dma2 semaphore(%run_scoped3A : memref<!tpu.dma_semaphore, #tpu.memory_space<semaphore_mem>>) src(%arg7 : memref<64x784xf32, #tpu.memory_space<vmem>>) dst(%arg9 : memref<64x784xf32, #tpu.memory_space<vmem_shared>>)
            tpu.yield
          }) : () -> ()
        } else {
        }
        %barrier3A = arith.constant 0 : index
        tpu.barrier barrier_id(%barrier3A)
        %ne3A = arith.constant 0 : i32
        %ne3A_46 = arith.cmpi ne, %arg1, %ne3A : i32
        %convert_element_type3A_47 = arith.extui %ne3A_46 : i1 to i32
        %cond3A_48 = arith.constant 0 : i32
        %cond3A_49 = arith.cmpi ne, %convert_element_type3A_47, %cond3A_48 : i32
        scf.if %cond3A_49 {
          "tpu.region"() ({
            %run_scoped3A = tpu.sem_alloc : memref<!tpu.dma_semaphore, #tpu.memory_space<semaphore_mem>>
            %dma_start3A = arith.constant 0 : i32
            %dma_start3A_57 = arith.constant 0 : i32
            %dma_start3A_58 = tpu.memref_slice %arg9[%dma_start3A, %dma_start3A_57] : memref<64x784xf32, #tpu.memory_space<vmem_shared>> -> memref<64x784xf32, #tpu.memory_space<vmem_shared>>
            tpu.enqueue_indirect_dma source(%arg7 : memref<64x784xf32, #tpu.memory_space<vmem>>) target(%dma_start3A_58 : memref<64x784xf32, #tpu.memory_space<vmem_shared>>) offsets(%arg8 : memref<64xi32, #tpu.memory_space<vmem>>) semaphore(%run_scoped3A : memref<!tpu.dma_semaphore, #tpu.memory_space<semaphore_mem>>) {add = true}
            %dma_wait3A = arith.constant 0 : i32
            %dma_wait3A_59 = arith.constant 0 : i32
            %dma_wait3A_60 = tpu.memref_slice %arg9[%dma_wait3A, %dma_wait3A_59] : memref<64x784xf32, #tpu.memory_space<vmem_shared>> -> memref<64x784xf32, #tpu.memory_space<vmem_shared>>
            tpu.wait_indirect_dma semaphore(%run_scoped3A : memref<!tpu.dma_semaphore, #tpu.memory_space<semaphore_mem>>) src(%arg7 : memref<64x784xf32, #tpu.memory_space<vmem>>) dst(%dma_wait3A_60 : memref<64x784xf32, #tpu.memory_space<vmem_shared>>)
            tpu.yield
          }) : () -> ()
        } else {
        }
        %barrier3A_50 = arith.constant 0 : index
        tpu.barrier barrier_id(%barrier3A_50)
        %eq3A_51 = arith.constant 0 : i32
        %eq3A_52 = arith.cmpi eq, %arg1, %eq3A_51 : i32
        %convert_element_type3A_53 = arith.extui %eq3A_52 : i1 to i32
        %cond3A_54 = arith.constant 0 : i32
        %cond3A_55 = arith.cmpi ne, %convert_element_type3A_53, %cond3A_54 : i32
        scf.if %cond3A_55 {
          %mul3A_57 = arith.constant 784 : i32
          %mul3A_58 = arith.muli %scan3A_35, %mul3A_57 : i32
          "tpu.region"() ({
            %run_scoped3A = tpu.sem_alloc : memref<!tpu.dma_semaphore, #tpu.memory_space<semaphore_mem>>
            %dma_start3A = arith.constant 0 : i32
            %dma_start3A_59 = tpu.memref_slice %arg4[%arg0, %scan3A_28, %dma_start3A, %mul3A_58] : memref<2x16x64x3136xf32, #tpu.memory_space<hbm>> -> memref<1x1x64x784xf32, #tpu.memory_space<hbm>>
            %dma_start3A_60 = tpu.memref_squeeze %dma_start3A_59 : memref<1x1x64x784xf32, #tpu.memory_space<hbm>> -> memref<64x784xf32, #tpu.memory_space<hbm>>
            tpu.enqueue_dma source(%arg9 : memref<64x784xf32, #tpu.memory_space<vmem_shared>>) target(%dma_start3A_60 : memref<64x784xf32, #tpu.memory_space<hbm>>) target_semaphore(%run_scoped3A : memref<!tpu.dma_semaphore, #tpu.memory_space<semaphore_mem>>)
            %dma_wait3A = arith.constant 0 : i32
            %dma_wait3A_61 = tpu.memref_slice %arg4[%arg0, %scan3A_28, %dma_wait3A, %mul3A_58] : memref<2x16x64x3136xf32, #tpu.memory_space<hbm>> -> memref<1x1x64x784xf32, #tpu.memory_space<hbm>>
            %dma_wait3A_62 = tpu.memref_squeeze %dma_wait3A_61 : memref<1x1x64x784xf32, #tpu.memory_space<hbm>> -> memref<64x784xf32, #tpu.memory_space<hbm>>
            tpu.wait_dma2 semaphore(%run_scoped3A : memref<!tpu.dma_semaphore, #tpu.memory_space<semaphore_mem>>) src(%arg9 : memref<64x784xf32, #tpu.memory_space<vmem_shared>>) dst(%dma_wait3A_62 : memref<64x784xf32, #tpu.memory_space<hbm>>)
            tpu.yield
          }) : () -> ()
        } else {
        }
        %barrier3A_56 = arith.constant 0 : index
        tpu.barrier barrier_id(%barrier3A_56)
      }
      %scan3A_34 = arith.constant 4 : i32
    }
    %scan3A_27 = arith.constant 16 : i32
    return
  }
}

module attributes {stable_mosaic.version = 14 : i64} {
  func.func @body(%arg0: i32, %arg1: memref<1x64x3136xf32, #tpu.memory_space<vmem>>, %arg2: memref<1x64x3136xf32, #tpu.memory_space<vmem>>, %arg3: memref<1x64x3136xf32, #tpu.memory_space<vmem>>) attributes {dimension_semantics = [#tpu.dimension_semantics<arbitrary>], iteration_bounds = array<i64: 16>, scalar_prefetch = 0 : i64, scratch_operands = 0 : i64, tpu.core_type = #tpu.core_type<tc>, window_params = [{transform_indices = @transform_0, window_bounds = array<i64: 1, 64, 3136>}, {transform_indices = @transform_1, window_bounds = array<i64: 1, 64, 3136>}, {transform_indices = @transform_2, window_bounds = array<i64: 1, 64, 3136>}]} {
    %get3A = arith.constant 0 : index
    %get3A_0 = arith.constant 0 : index
    %get3A_1 = arith.constant 0 : index
    %get3A_2 = vector.load %arg1[%get3A, %get3A_0, %get3A_1] : memref<1x64x3136xf32, #tpu.memory_space<vmem>>, vector<1x64x3136xf32>
    %get3A_3 = arith.constant 0 : index
    %get3A_4 = arith.constant 0 : index
    %get3A_5 = arith.constant 0 : index
    %get3A_6 = vector.load %arg2[%get3A_3, %get3A_4, %get3A_5] : memref<1x64x3136xf32, #tpu.memory_space<vmem>>, vector<1x64x3136xf32>
    %add3A = arith.addf %get3A_2, %get3A_6 : vector<1x64x3136xf32>
    %swap3A = arith.constant 0 : index
    %swap3A_7 = arith.constant 0 : index
    %swap3A_8 = arith.constant 0 : index
    %swap3A_9 = vector.load %arg3[%swap3A, %swap3A_7, %swap3A_8] : memref<1x64x3136xf32, #tpu.memory_space<vmem>>, vector<1x64x3136xf32>
    tpu.vector_store %arg3[%swap3A, %swap3A_7, %swap3A_8], %add3A {strides = array<i32>} : memref<1x64x3136xf32, #tpu.memory_space<vmem>>, vector<1x64x3136xf32>,
    return
  }
  func.func @transform_0(%arg0: i32) -> (i32, i32, i32) {
    %c0_i32 = arith.constant 0 : i32
    %c0_i32_0 = arith.constant 0 : i32
    %c0_i32_1 = arith.constant 0 : i32
    return %arg0, %c0_i32, %c0_i32_0 : i32, i32, i32
  }
  func.func @transform_1(%arg0: i32) -> (i32, i32, i32) {
    %c0_i32 = arith.constant 0 : i32
    %c0_i32_0 = arith.constant 0 : i32
    %c0_i32_1 = arith.constant 0 : i32
    return %arg0, %c0_i32, %c0_i32_0 : i32, i32, i32
  }
  func.func @transform_2(%arg0: i32) -> (i32, i32, i32) {
    %c0_i32 = arith.constant 0 : i32
    %c0_i32_0 = arith.constant 0 : i32
    %c0_i32_1 = arith.constant 0 : i32
    return %arg0, %c0_i32, %c0_i32_0 : i32, i32, i32
  }
}

</mosaic_0001>

<sc_bundles>
// kernel: kernel.4.cloned.1.call-start
scs
__scs_entry_jumppad:
0x0: {  	(pc) =	sbr.rel $0x88, $3  }
0x1: {  	(tag) =	ssettag $0x0;
	lr =	simm.s32 $0x1  }
0x2: {  	[smem:$0x3F9F] =	sst lr;
	_ =	strace $0xD0000000  }
0x3: {  	_ = 	snop  }
0x4: {  	_ = 	snop  }
0x5: {  	_ = 	snop  }
0x6: {  	_ = 	snop  }
0x7: {  	_ = 	snop  }
__scs_overlays_trampoline_lowered:
0x8: {  	[smem:$0x3FAE] =	sst s0  }
0x9: {  	[smem:$0x3FAF] =	sst s1  }
0xa: {  	[smem:$0x3FB0] =	sst s2  }
0xb: {  	[smem:$0x3FB1] =	sst s3  }
0xc: {  	[smem:$0x3FB2] =	sst s4  }
0xd: {  	[smem:$0x3FB3] =	sst s5  }
0xe: {  	[smem:$0x3FB4] =	sst s6  }
0xf: {  	[smem:$0x3FB5] =	sst s7  }
0x10: {  	[smem:$0x3FB6] =	sst s8  }
0x11: {  	[smem:$0x3FB7] =	sst s9;
	s0 =	simm.s32 @!p0 $0x0  }
0x12: {  	s1 =	sld [smem:$0x3F9D];
	s0 =	simm.s32 @p0 $0x1  }
0x13: {  	[smem:$0x3FB8] =	sst s0;
	s0 =	simm.s32 @!p1 $0x0  }
0x14: {  	s2 =	sld [smem:$0x3F9C];
	s0 =	simm.s32 @p1 $0x1  }
0x15: {  	[smem:$0x3FB9] =	sst s0;
	s0 =	simm.s32 @!p2 $0x0  }
0x16: {  	s3 =	sld [smem:$0x3FDB];
	s0 =	simm.s32 @p2 $0x1  }
0x17: {  	s4 =	simm.s32 $0x1BF5;
	[smem:$0x3FBB] =	sst s0  }
0x18: {  	s0 =	sld [smem:$0x3F9E];
	_ =	swait.ge [sflag:s4], $0x0  }
0x19: {  	s7 =	sld [smem:$0x3F9F]  }
0x1a: {  	s8 =	sadd.s32 $0xFFFFE003, lr  }
0x1b: {  	s9 =	sadd.s32 $0xFFFFFEF7, lr;
	s5 =	simm.s32 $0xFFFFFFFF;
	p2 =	slt.u32 s8, $0xFFFFF086  }
0x1c: {  	p1 =	slt.u32 s9, $0xF7A;
	s5 =	simm.s32 @!p2 $0x0  }
0x1d: {  	s5 =	simm.s32 @p1 $0x1;
	p0 =	seq.s32 s7, s2  }
0x1e: {  	s7 =	smul.u32 @!p0 $0xF7A, s2;
	p2 =	seq.s32 @!p0 s5, $0x0  }
0x1f: {  	s9 =	smul.u32 $0xF7A, s1;
	s8 =	simm.s32 @!p0 $0x1BF5;
	p2 =	por !p2, p0  }
0x20: {  	[sflag:s8] =	ssyncset.s32 @!p0 $0xFFFFF086;
	s6 =	sadd.s32 @!p0 s3, s7;
	s7 =	simm.s32 @!p0 $0x108  }
0x21: {  	s3 =	sadd.s32 s3, s9;
	s6 =	sadd.s32 @!p0 $0x88, s6;
	s7 =	simm.s32 @p2 $0x1082  }
0x22: {  	[simem:s7], [sflag:s8] =	dma.local @!p0 [hbm:s6], $0xF7A  }
0x23: {  	s9 =	sor.u32 $0xD0000000, s2;
	s6 =	simm.s32 $0x108;
	_ =	swait.ge @!p0 [sflag:s8], $0x0  }
0x24: {  	s3 =	sadd.s32 $0x88, s3;
	s6 =	simm.s32 @!p1 $0x1082;
	[sflag:s4] =	ssyncset.s32 $0xFFFFF086  }
0x25: {  	[simem:s6], [sflag:s4] =	dma.local [hbm:s3], $0xF7A  }
0x26: {  	[smem:$0x3F9F] =	sst s1;
	(tag) =	ssettag s2;
	_ =	strace s9  }
0x27: {  	s1 =	sld [smem:$0x3FAF]  }
0x28: {  	s2 =	sld [smem:$0x3FB0]  }
0x29: {  	s4 =	sld [smem:$0x3FB2]  }
0x2a: {  	p0 =	seq.s32 s5, $0x0;
	s5 =	sld [smem:$0x3FB3]  }
0x2b: {  	s6 =	sld [smem:$0x3FB4]  }
0x2c: {  	s7 =	sld [smem:$0x3FB5]  }
0x2d: {  	s3 =	simm.s32 $0x108;
	s8 =	sld [smem:$0x3FB6]  }
0x2e: {  	s3 =	simm.s32 @!p0 $0x1082;
	s9 =	sld [smem:$0x3FB7]  }
0x2f: {  	lr =	sadd.s32 s0, s3;
	s0 =	sld [smem:$0x3FAE]  }
0x30: {  	s3 =	sld [smem:$0x3FB1]  }
0x31: {  	[smem:$0x3FBA] =	sst s10  }
0x32: {  	s10 =	sld [smem:$0x3FB8];
	_ =	sdelay $0x3  }
0x33: {  	p0 =	seq.s32 s10, $0x1;
	s10 =	sld [smem:$0x3FBA];
	_ =	sdelay $0x3  }
0x34: {  	[smem:$0x3FBA] =	sst s10  }
0x35: {  	s10 =	sld [smem:$0x3FB9];
	_ =	sdelay $0x3  }
0x36: {  	p1 =	seq.s32 s10, $0x1;
	s10 =	sld [smem:$0x3FBA];
	_ =	sdelay $0x3  }
0x37: {  	[smem:$0x3FBA] =	sst s10  }
0x38: {  	s10 =	sld [smem:$0x3FBB]  }
0x39: {  	_ = 	snop;
	(pc) =	sbr.ind lr, $3  }
0x3a: {  	_ = 	snop  }
0x3b: {  	_ = 	snop  }
0x3c: {  	p2 =	seq.s32 s10, $0x1;
	s10 =	sld [smem:$0x3FBA]  }
0x3d: {  	_ =	shalt  }
0x3e: {  	_ =	shalt  }
0x3f: {  	_ =	shalt  }
0x40: {  	_ =	shalt  }
0x41: {  	_ =	shalt  }
0x42: {  	_ =	shalt  }
0x43: {  	_ =	shalt  }
0x44: {  	_ =	shalt  }
0x45: {  	_ =	shalt  }
0x46: {  	_ =	shalt  }
0x47: {  	_ =	shalt  }
0x48: {  	_ =	shalt  }
0x49: {  	_ =	shalt  }
0x4a: {  	_ =	shalt  }
0x4b: {  	_ =	shalt  }
0x4c: {  	_ =	shalt  }
0x4d: {  	_ =	shalt  }
0x4e: {  	_ =	shalt  }
0x4f: {  	_ =	shalt  }
0x50: {  	_ =	shalt  }
0x51: {  	_ =	shalt  }
0x52: {  	_ =	shalt  }
0x53: {  	_ =	shalt  }
0x54: {  	_ =	shalt  }
0x55: {  	_ =	shalt  }
0x56: {  	_ =	shalt  }
0x57: {  	_ =	shalt  }
0x58: {  	_ =	shalt  }
0x59: {  	_ =	shalt  }
0x5a: {  	_ =	shalt  }
0x5b: {  	_ =	shalt  }
0x5c: {  	_ =	shalt  }
0x5d: {  	_ =	shalt  }
0x5e: {  	_ =	shalt  }
0x5f: {  	_ =	shalt  }
0x60: {  	_ =	shalt  }
0x61: {  	_ =	shalt  }
0x62: {  	_ =	shalt  }
0x63: {  	_ =	shalt  }
0x64: {  	_ =	shalt  }
0x65: {  	_ =	shalt  }
0x66: {  	_ =	shalt  }
0x67: {  	_ =	shalt  }
0x68: {  	_ =	shalt  }
0x69: {  	_ =	shalt  }
0x6a: {  	_ =	shalt  }
0x6b: {  	_ =	shalt  }
0x6c: {  	_ =	shalt  }
0x6d: {  	_ =	shalt  }
0x6e: {  	_ =	shalt  }
0x6f: {  	_ =	shalt  }
0x70: {  	_ =	shalt  }
0x71: {  	_ =	shalt  }
0x72: {  	_ =	shalt  }
0x73: {  	_ =	shalt  }
0x74: {  	_ =	shalt  }
0x75: {  	_ =	shalt  }
0x76: {  	_ =	shalt  }
0x77: {  	_ =	shalt  }
0x78: {  	_ =	shalt  }
0x79: {  	_ =	shalt  }
0x7a: {  	_ =	shalt  }
0x7b: {  	_ =	shalt  }
0x7c: {  	_ =	shalt  }
0x7d: {  	_ =	shalt  }
0x7e: {  	_ =	shalt  }
0x7f: {  	_ =	shalt  }
0x80: {  	_ =	shalt  }
0x81: {  	_ =	shalt  }
0x82: {  	_ =	shalt  }
0x83: {  	_ =	shalt  }
0x84: {  	_ =	shalt  }
0x85: {  	_ =	shalt  }
0x86: {  	_ =	shalt  }
0x87: {  	_ =	shalt  }
.Lfunc_end0:
.L_simem_size_0:
called_computation.1_lowered:
.L_overlay_start_0:
0x88: {  	s2 =	sld [smem:$0x3FD9]  }
0x89: {  	s3 =	sld [smem:$0x3FFE];
	_ =	sdelay $0x1  }
0x8a: {  	s1 =	srdreg.scid  }
0x8b: {  	s0 =	sand.u32 $0x1, s1  }
0x8c: {  	s17 =	sshll.u32 s0, $0xA;
	s2 =	sadd.s32 s3, s2  }
0x8d: {  	s2 =	sadd.s32 s2, s17  }
0x8e: {  	[smem:$0x3FC6] =	sst s2  }
0x8f: {  	_ = 	snop  }
0x90: {  	s2 =	sld [smem:$0x3FD0];
	(tm) =	ssettm $0x1  }
0x91: {  	s18 =	sld [smem:$0x3FFB];
	_ =	sdelay $0x3  }
0x92: {  	_ =	strace s18  }
0x93: {  	s3 =	sld [smem:$0x3FFC];
	_ =	sdelay $0x3  }
0x94: {  	_ =	strace s3  }
0x95: {  	s3 =	sld [smem:$0x3FFD];
	_ =	sdelay $0x3  }
0x96: {  	_ =	strace s3  }
0x97: {  	_ =	strace $0x8FFFFFFF  }
0x98: {  	s19 =	sld [smem:$0x3FDB];
	_ =	sdelay $0x1  }
0x99: {  	s4 =	simm.s32 $_scs_section_size  }
0x9a: {  	s5 =	simm.s32 $_size__tile_overlayer_lowered;
	s6 =	simm.s32 $_tile_overlayer_lowered  }
0x9b: {  	s22 =	simm.s32 $0x1BFF;
	s21 =	sshll.u32 s6, $0x1;
	s3 =	sadd.s32 s4, s19  }
0x9c: {  	s7 =	simm.s32 $0x0;
	s20 =	sshll.u32 s5, $0x1;
	s5 =	sadd.s32 s21, s3  }
0x9d: {  	[timem:s7], [sflag:s22] =	dma.local [hbm:s5], s20  }
0x9e: {  	_ =	swait.ge [sflag:s22], s20  }
0x9f: {  	s4 =	ssub.s32 $0x0, s20;
	[sflag:s22] =	ssyncset.done $0x0  }
0xa0: {  	[sflag:s22] =	ssyncadd.s32 s4;
	_ =	sdelay $0x1  }
0xa1: {  	s23 =	simm.s32 $0x1B8B  }
0xa2: {  	_ =	swait.ge [sflag:s23], $0x1  }
0xa3: {  	[sflag:s23] =	ssyncset.done $0x0  }
0xa4: {  	s25 =	simm.s32 $0x1B8E;
	s24 =	sld [smem:$0x3FFE];
	[sflag:s23] =	ssyncadd.s32 $0xFFFFFFFF  }
0xa5: {  	s26 =	simm.s32 $execute0_lowered;
	[smem:$0x3FD2] =	sst s25  }
0xa6: {  	s5 =	sshll.u32 s26, $0x1;
	_ =	strace $0x80000049;
	[dreg:$0x1] =	wrdreg $0xFFFFFFFF  }
0xa7: {  	s28 =	simm.s32 $_size_execute0_lowered;
	s3 =	sadd.s32 s3, s5;
	[dreg:$0x0] =	wrdreg $0x0  }
0xa8: {  	s5 =	sshll.u32 s28, $0x1;
	[dreg:$0x2] =	wrdreg s3  }
0xa9: {  	[dreg:$0x3] =	wrdreg s5  }
0xaa: {  	[dreg:$0x4] =	wrdreg $0xC0  }
0xab: {  	_ =	task [dreg:s7], $0x5FFFF  }
0xac: {  	[dreg:$0x1] =	wrdreg $0xFFFFFFFF  }
0xad: {  	[dreg:$0x0] =	wrdreg $0x60  }
0xae: {  	[dreg:$0x2] =	wrdreg s24  }
0xaf: {  	[dreg:$0x3] =	wrdreg s2  }
0xb0: {  	[dreg:$0x4] =	wrdreg $0x162E00  }
0xb1: {  	[dreg:$0x5] =	wrdreg $0x9  }
0xb2: {  	_ =	task.clear_ibuf [dreg:s7], $0x6FFFF;
	_ =	strace $0x90000049  }
0xb3: {  	s29 =	simm.s32 $0x9;
	_ =	strace $0x8000004B  }
0xb4: {  	_ =	swait.ge [sflag:s29], $0x1  }
0xb5: {  	[sflag:s29] =	ssyncadd.s32 $0xFFFFFFFF  }
0xb6: {  	_ =	strace $0x9000004B  }
0xb7: {  	_ =	sfence  }
0xb8: {  	s30 =	sld [smem:$0x0];
	_ =	sdelay $0x2  }
0xb9: {  	s31 =	sshll.u32 s1, $0xD;
	s1 =	sshrl.u32 s1, $0x2  }
0xba: {  	s3 =	sand.u32 $0x4000, s31;
	s1 =	sadd.s32 s1, s30  }
0xbb: {  	s0 =	sor.u32 s3, s0;
	s1 =	sshll.u32 s1, $0x11  }
0xbc: {  	s0 =	sor.u32 s1, s0  }
0xbd: {  	s0 =	sadd.s32 $0x8F2B, s0  }
0xbe: {  	[sflag:s0] =	ssyncadd.remote.s32 $0x1  }
0xbf: {  	_ =	sfence.sel $0xFFFF  }
0xc0: {  	[dreg:$0x0] =	wrdreg $0xFFFFFFFF;
	(pc) =	sbr.abs _section_cstart, $3  }
0xc1: {  	[dreg:$0x1] =	wrdreg $0xFFFFFFFF  }
0xc2: {  	_ =	task.clear_ibuf [dreg:s7], $0x2FFFF;
	_ =	strace $0x9FFFFFFF  }
0xc3: {  	(tm) =	ssettm $0x7FFFFFFF  }
tec
execute0_lowered:
.L_overlay_start_1:
0x0: {  	(tag) =	ssettag $0x1  }
0x1: {  	s6 =	rddreg [dreg:$0x0]  }
0x2: {  	s1 =	rddreg [dreg:$0x1]  }
0x3: {  	s2 =	rddreg [dreg:$0x2]  }
0x4: {  	s3 =	srdreg.scid;
	s4 =	simm.s32 $0x0;
	s12 =	simm.s32 $0xC40  }
0x5: {  	s13 =	simm.s32 $0x8000;
	s14 =	simm.s32 $0x0;
	s8 =	sand.u32 $0x1, s3  }
0x6: {  	[smem:$0x7FF] =	sst s4;
	s3 =	stileid.u32;
	s5 =	sshll.u32 s8, $0x4  }
0x7: {  	v0 =	vlaneseq.u32;
	_ =	strace $0x8000004A;
	s9 =	ssub.s32 $0x2, s8;
	s8 =	smul.u32 $0x310000, s8  }
0x8: {  	v1 =	vor.u32 $0x10, v0;
	p0 =	seq.s32 s3, $0x0;
	s7 =	sor.u32 s3, s5;
	s11 =	sshrl.u32 s9, $0x1  }
0x9: {  	v63 =	vor.u32 $0x20, v0;
	[tilespmem:$0x1FFD0] =	vst v1;
	s5 =	sadd.s32 $0x480A00, s6;
	s10 =	sshll.u32 s7, $0xC;
	s9 =	ssub.s32 s9, s11  }
0xa: {  	v0 =	vor.u32 $0x30, v0;
	[tilespmem:$0x1FFE0] =	vst v63;
	s11 =	simm.s32 $0x310;
	s10 =	sadd.s32 s10, s6;
	s6 =	smul.u32 $0x7A80, s7  }
0xb: {  	[tilespmem:$0x1FFF0] =	vst v0;
	s9 =	smax.u32 s9, $0x1;
	s7 =	sadd.s32 $0x460A00, s10;
	s10 =	simm.s32 $0x1  }
.LBB2_1:
0xc: {  	[tilespmem:s4], [sflag:$0x1] =	stream.linear.gather [hbm4b:s7+s4], $0x8000, $0x38;
	[tilespmem:$0x16F20] =	vst v63  }
0xd: {  	_ =	swait.ge [sflag:s10], $0x8000  }
0xe: {  	v61 =	vld [tilespmem:$0x1FFD0]  }
0xf: {  	v62 =	vld [tilespmem:$0x1FFE0]  }
0x10: {  	[sflag:s10] =	ssyncset.done $0x0;
	v63 =	vld [tilespmem:$0x1FFF0]  }
0x11: {  	v0 =	vlaneseq.u32;
	[sflag:s10] =	ssyncadd.s32 $0xFFFF8000  }
0x12: {  	[tilespmem:$0x162A0] =	vst v0  }
0x13: {  	[tilespmem:$0x162B0] =	vst v61  }
0x14: {  	[tilespmem:$0x162C0] =	vst v62  }
0x15: {  	s15 =	simm.s32 $0x0;
	[tilespmem:$0x162D0] =	vst v63  }
.LBB2_2:
0x16: {  	s16 =	smul.u32 $0xF5000, s15  }
0x17: {  	s17 =	smul.u32 $0x31000, s15;
	_ =	sdelay $0x1  }
0x18: {  	s18 =	simm.s32 $0x0;
	s16 =	sadd.s32 s6, s16;
	s17 =	sadd.s32 s8, s17  }
.LBB2_3:
0x19: {  	s19 =	smul.u32 $0x310, s18;
	_ =	sdelay $0x1  }
0x1a: {  	s20 =	sadd.s32 s19, s16  }
0x1b: {  	s20 =	sshrl.u32 s20, $0x3  }
0x1c: {  	s20 =	sadd.s32 s5, s20  }
0x1d: {  	[tilespmem:s13], [sflag:$0x1] =	stream.strided.gather [hbm4b:s20+s11], $0x1EA0, s12, s11, $0x38;
	[tilespmem:$0x16F20] =	vst v63  }
0x1e: {  	_ =	swait.ge [sflag:s10], $0x1EA0  }
0x1f: {  	[sflag:s10] =	ssyncset.done $0x0  }
0x20: {  	s21 =	simm.s32 $0x0;
	s20 =	simm.s32 $0xB720;
	[sflag:s10] =	ssyncadd.s32 $0xFFFFE160  }
.LBB2_4:
0x21: {  	s22 =	sshll.u32 s21, $0x4  }
0x22: {  	v13 =	vld [tilespmem:s22+$0x8000]  }
0x23: {  	v14 =	vld [tilespmem:s22+$0x8310]  }
0x24: {  	v12 =	vld [tilespmem:s22+$0x8620]  }
0x25: {  	v10 =	vld [tilespmem:s22+$0x8930]  }
0x26: {  	v9 =	vld [tilespmem:s22+$0x8C40]  }
0x27: {  	v0 =	vimm.s32 $0x0;
	v1 =	vimm.f32 $0.0e+00;
	v39 =	vld [tilespmem:s22+$0x8F50]  }
0x28: {  	v49 =	vimm.s32 $0x200;
	v51 =	vimm.f32 $1.000000000e+00;
	v56 =	vimm.s32 $0xFFFFFDFF;
	v41 =	vld [tilespmem:s22+$0x9260]  }
0x29: {  	vm0 =	vge.f32 v13, $5.000000000e-01;
	vm1 =	vge.f32 v14, $5.000000000e-01;
	vm13 =	vge.f32 v12, $5.000000000e-01  }
0x2a: {  	v16 =	vadd.f32 $-5.000000000e-01, v13;
	v17 =	vadd.f32 $-5.000000000e-01, v14;
	vm14 =	vge.f32 v10, $5.000000000e-01  }
0x2b: {  	v40 =	vadd.f32 $-5.000000000e-01, v12;
	vm15 =	vge.f32 v9, $5.000000000e-01;
	v42 =	vadd.f32 $-5.000000000e-01, v10  }
0x2c: {  	v24 =	vadd.f32 $-5.000000000e-01, v9;
	vm5 =	vge.f32 v39, $5.000000000e-01;
	v25 =	vadd.f32 $-5.000000000e-01, v39  }
0x2d: {  	vm12 =	vge.f32 v41, $5.000000000e-01;
	v18 =	vand.u32 $0x7FFFFFFF, v16;
	v19 =	vand.u32 $0x7FFFFFFF, v17  }
0x2e: {  	v27 =	vadd.f32 $-5.000000000e-01, v41;
	v11 =	vsel vm0, $0x200, v0;
	vm6 =	vlt.f32 v19, v18  }
0x2f: {  	v43 =	vld [tilespmem:s22+$0x9570];
	v15 =	vsel vm1, $0x100, v0;
	v21 =	vand.u32 $0x7FFFFFFF, v40;
	v22 =	vsel vm6, v19, v18  }
0x30: {  	v28 =	vld [tilespmem:s22+$0x9B90];
	v38 =	vsel vm13, $0x80, v0;
	v20 =	vsel vm14, $0x40, v0;
	vm7 =	vlt.f32 v21, v22  }
0x31: {  	v11 =	vor.u32 v11, v15;
	v23 =	vand.u32 $0x7FFFFFFF, v42;
	v22 =	vsel vm7, v21, v22  }
0x32: {  	v24 =	vand.u32 $0x7FFFFFFF, v24;
	v15 =	vor.u32 v38, v11;
	vm8 =	vlt.f32 v23, v22  }
0x33: {  	v15 =	vor.u32 v20, v15;
	v20 =	vsel vm15, $0x20, v0;
	v22 =	vsel vm8, v23, v22  }
0x34: {  	v29 =	vadd.f32 $-5.000000000e-01, v43;
	v15 =	vor.u32 v20, v15;
	v20 =	vld [tilespmem:s22+$0x9880];
	vm0 =	vlt.f32 v24, v22  }
0x35: {  	v32 =	vadd.f32 $-5.000000000e-01, v28;
	v25 =	vand.u32 $0x7FFFFFFF, v25;
	v22 =	vsel vm0, v24, v22  }
0x36: {  	v26 =	vsel vm5, $0x10, v0;
	vm5 =	vge.f32 v43, $5.000000000e-01;
	vm1 =	vlt.f32 v25, v22  }
0x37: {  	v27 =	vand.u32 $0x7FFFFFFF, v27;
	v29 =	vand.u32 $0x7FFFFFFF, v29;
	v22 =	vsel vm1, v25, v22  }
0x38: {  	v31 =	vsel vm6, $0x1, v0;
	v15 =	vor.u32 v26, v15;
	vm2 =	vlt.f32 v27, v22  }
0x39: {  	v31 =	vsel vm7, $0x2, v31;
	v30 =	vadd.f32 $-5.000000000e-01, v20;
	v22 =	vsel vm2, v27, v22  }
0x3a: {  	v26 =	vsel vm12, $0x8, v0;
	v31 =	vsel vm8, $0x3, v31;
	vm3 =	vlt.f32 v29, v22  }
0x3b: {  	v31 =	vsel vm0, $0x4, v31;
	v30 =	vand.u32 $0x7FFFFFFF, v30;
	v22 =	vsel vm3, v29, v22  }
0x3c: {  	v15 =	vor.u32 v26, v15;
	v26 =	vsel vm1, $0x5, v31;
	vm4 =	vlt.f32 v30, v22  }
0x3d: {  	v31 =	vand.u32 $0x7FFFFFFF, v32;
	v26 =	vsel vm2, $0x6, v26;
	v22 =	vsel vm4, v30, v22  }
0x3e: {  	vm15 =	vge.f32 v28, $5.000000000e-01;
	v26 =	vsel vm3, $0x7, v26;
	vm9 =	vlt.f32 v31, v22  }
0x3f: {  	v26 =	vsel vm4, $0x8, v26;
	v22 =	vsel vm5, $0x4, v0;
	vm5 =	vmneg vm9  }
0x40: {  	vm13 =	vge.f32 v20, $5.000000000e-01;
	v15 =	vor.u32 v22, v15;
	v22 =	vnsel vm5, $0x9, v26  }
0x41: {  	v26 =	vsel vm13, $0x2, v0;
	v52 =	vsel vm5, $0x0, v51;
	vm10 =	veq.s32 v22, $0x0  }
0x42: {  	vm11 =	veq.s32 v22, $0x1;
	vm14 =	veq.s32 v22, $0x2;
	v15 =	vor.u32 v26, v15  }
0x43: {  	vm12 =	veq.s32 v22, $0x3;
	vm13 =	veq.s32 v22, $0x4;
	v55 =	vshrl.u32 v49, v22  }
0x44: {  	v57 =	vshra.s32 v56, v22;
	v44 =	vsel vm10, $0x3F800000, v1;
	v33 =	vsel vm11, $0x3F800000, v1  }
0x45: {  	v26 =	vsel vm14, $0x3F800000, v1;
	v45 =	vsel vm12, $0x3F800000, v1;
	vm12 =	veq.s32 v22, $0x5  }
0x46: {  	vm14 =	vmand vm4, vm5;
	v18 =	vadd.f32 v44, v18;
	v19 =	vadd.f32 v33, v19  }
0x47: {  	v21 =	vadd.f32 v26, v21;
	v26 =	vsel vm15, $0x1, v0;
	v46 =	vsel vm12, $0x3F800000, v1  }
0x48: {  	vm12 =	veq.s32 v22, $0x6;
	v15 =	vor.u32 v26, v15;
	vm11 =	vlt.f32 v19, v18  }
0x49: {  	v58 =	vor.u32 v15, v55;
	v59 =	vand.u32 v15, v57;
	v18 =	vsel vm11, v19, v18  }
0x4a: {  	v19 =	vadd.f32 v45, v23;
	v23 =	vsel vm6, v14, v13;
	v13 =	vsel vm11, v14, v13  }
0x4b: {  	v50 =	vsel vm11, $0x100, v49;
	vm10 =	vlt.f32 v21, v18;
	v23 =	vsel vm7, v12, v23  }
0x4c: {  	v18 =	vsel vm10, v21, v18;
	v21 =	vsel vm13, $0x3F800000, v1;
	v23 =	vsel vm8, v10, v23  }
0x4d: {  	v12 =	vsel vm10, v12, v13;
	vm9 =	vlt.f32 v19, v18;
	v21 =	vadd.f32 v21, v24  }
0x4e: {  	v60 =	vsel vm0, v9, v23;
	v18 =	vsel vm9, v19, v18;
	v19 =	vadd.f32 v46, v25  }
0x4f: {  	v10 =	vsel vm9, v10, v12;
	v61 =	vsel vm1, v39, v60;
	vm6 =	vlt.f32 v21, v18  }
0x50: {  	v18 =	vsel vm6, v21, v18;
	v21 =	vsel vm12, $0x3F800000, v1;
	vm12 =	veq.s32 v22, $0x7  }
0x51: {  	v9 =	vsel vm6, v9, v10;
	vm7 =	vlt.f32 v19, v18;
	v21 =	vadd.f32 v21, v27  }
0x52: {  	v10 =	vsel vm2, v41, v61;
	v48 =	vsel vm12, $0x3F800000, v1;
	v47 =	vsel vm7, v19, v18  }
0x53: {  	v18 =	vadd.f32 v48, v29;
	v19 =	vsel vm10, $0x80, v50;
	vm8 =	vlt.f32 v21, v47  }
0x54: {  	v19 =	vsel vm9, $0x40, v19;
	v14 =	vsel vm8, v21, v47;
	v21 =	vsel vm14, $0x3F800000, v1  }
0x55: {  	v19 =	vsel vm6, $0x20, v19;
	vm11 =	vlt.f32 v18, v14;
	v21 =	vadd.f32 v21, v30  }
0x56: {  	v10 =	vsel vm3, v43, v10;
	v19 =	vsel vm7, $0x10, v19;
	v14 =	vsel vm11, v18, v14  }
0x57: {  	v18 =	vadd.f32 v52, v31;
	v19 =	vsel vm8, $0x8, v19;
	vm12 =	vlt.f32 v21, v14  }
0x58: {  	v9 =	vsel vm7, v39, v9;
	v54 =	vsel vm11, $0x4, v19;
	v53 =	vsel vm12, v21, v14  }
0x59: {  	v9 =	vsel vm8, v41, v9;
	v14 =	vsel vm12, $0x2, v54;
	vm15 =	vlt.f32 v18, v53  }
0x5a: {  	v10 =	vsel vm4, v20, v10;
	v9 =	vsel vm11, v43, v9;
	v18 =	vsel vm15, $0x1, v14  }
0x5b: {  	v9 =	vsel vm12, v20, v9;
	v21 =	vsel vm5, v10, v28;
	v0 =	vandn.u32 v58, v18  }
0x5c: {  	v10 =	vsub.f32 $1.000000000e+00, v21;
	v9 =	vsel vm15, v28, v9;
	v3 =	vor.u32 v59, v18  }
0x5d: {  	v7 =	vor.u32 v58, v18;
	v12 =	vandn.u32 v59, v18;
	v62 =	vsub.f32 $1.000000000e+00, v9  }
0x5e: {  	v4 =	vmul.f32 v9, v10;
	v1 =	vmul.f32 v9, v21;
	v13 =	vadd.s32 $0x2000, v12  }
0x5f: {  	s23 =	simm.s32 $0x1C00;
	s24 =	simm.s32 $0x400;
	v14 =	vadd.s32 $0x2000, v0;
	v15 =	vadd.s32 $0x2000, v3;
	v9 =	vadd.s32 $0x2000, v7  }
0x60: {  	s31 =	simm.s32 $0x800;
	v6 =	vadd.s32 s24, v12;
	v34 =	vadd.s32 s23, v7;
	v35 =	vadd.s32 s24, v0;
	v20 =	vld.idx.msk [tilespmem:v0+s4+$0x0], $0xffff  }
0x61: {  	v36 =	vadd.s32 s24, v3;
	v37 =	vadd.s32 s24, v7;
	v38 =	vadd.s32 s31, v12;
	v22 =	vld.idx.msk [tilespmem:v3+s4+$0x0], $0xffff  }
0x62: {  	s0 =	simm.s32 $0xC00;
	v39 =	vadd.s32 s31, v0;
	v40 =	vadd.s32 s31, v3;
	v41 =	vadd.s32 s31, v7;
	v24 =	vld.idx.msk [tilespmem:v12+s4+$0x0], $0xffff  }
0x63: {  	s25 =	simm.s32 $0x1000;
	v42 =	vadd.s32 s0, v12;
	v43 =	vadd.s32 s0, v0;
	v44 =	vadd.s32 s0, v3;
	v23 =	vld.idx.msk [tilespmem:v7+s4+$0x0], $0xffff  }
0x64: {  	v45 =	vadd.s32 s0, v7;
	v46 =	vadd.s32 s25, v12;
	v47 =	vadd.s32 s25, v0  }
0x65: {  	v48 =	vadd.s32 s25, v3;
	v8 =	vmul.f32 v62, v10;
	v5 =	vmul.f32 v62, v21  }
0x66: {  	v21 =	vunpack.i.u.bf16.f32 v20;
	v20 =	vunpack.i.l.bf16.f32 v20;
	v26 =	vunpack.i.u.bf16.f32 v22  }
0x67: {  	v27 =	vunpack.i.l.bf16.f32 v24;
	v25 =	vmul.f32 v20, v5;
	v20 =	vunpack.i.l.bf16.f32 v22  }
0x68: {  	v22 =	vunpack.i.l.bf16.f32 v23;
	v27 =	vmul.f32 v27, v8;
	v23 =	vunpack.i.u.bf16.f32 v23  }
0x69: {  	s26 =	simm.s32 $0x0;
	v49 =	vadd.s32 s25, v7;
	v26 =	vmul.f32 v26, v4;
	v23 =	vmul.f32 v23, v1  }
0x6a: {  	s24 =	simm.s32 $0x1400;
	v29 =	vadd.s32 s26, v14;
	v33 =	vld.idx.msk [tilespmem:v6+s4+$0x0], $0xffff;
	v30 =	vadd.f32 v25, v27;
	v25 =	vadd.s32 s23, v12  }
0x6b: {  	v50 =	vadd.s32 s24, v12;
	v10 =	vld.idx.msk [tilespmem:v35+s4+$0x0], $0xffff;
	v63 =	vadd.f32 v23, v26;
	v23 =	vadd.s32 s23, v0  }
0x6c: {  	s25 =	simm.s32 $0x1800;
	v2 =	vadd.s32 s24, v0;
	v52 =	vadd.s32 s24, v3;
	v38 =	vld.idx.msk [tilespmem:v38+s4+$0x0], $0xffff;
	v26 =	vadd.s32 s23, v3  }
0x6d: {  	v54 =	vadd.s32 s25, v12;
	v55 =	vadd.s32 s25, v0;
	v56 =	vadd.s32 s25, v3;
	v40 =	vld.idx.msk [tilespmem:v40+s4+$0x0], $0xffff  }
0x6e: {  	v57 =	vadd.s32 s25, v7;
	v6 =	vadd.s32 s24, v7;
	v21 =	vmul.f32 v21, v5  }
0x6f: {  	v24 =	vunpack.i.u.bf16.f32 v24;
	v28 =	vmul.f32 v20, v4;
	v22 =	vmul.f32 v22, v1;
	v25 =	vld.idx.msk [tilespmem:v25+s4+$0x0], $0xffff  }
0x70: {  	v24 =	vmul.f32 v24, v8;
	v58 =	vunpack.i.u.bf16.f32 v33;
	v33 =	vunpack.i.l.bf16.f32 v33;
	v27 =	vld.idx.msk [tilespmem:v23+s4+$0x0], $0xffff  }
0x71: {  	v59 =	vunpack.i.u.bf16.f32 v10;
	v61 =	vunpack.i.u.bf16.f32 v38;
	v22 =	vadd.f32 v22, v28;
	v28 =	vld.idx.msk [tilespmem:v26+s4+$0x0], $0xffff  }
0x72: {  	v38 =	vunpack.i.l.bf16.f32 v38;
	v62 =	vunpack.i.u.bf16.f32 v40;
	v31 =	vadd.f32 v21, v24;
	v26 =	vld.idx.msk [tilespmem:v34+s4+$0x0], $0xffff  }
0x73: {  	v40 =	vunpack.i.l.bf16.f32 v40;
	v23 =	vadd.f32 v22, v30;
	v30 =	vld.idx.msk [tilespmem:v36+s4+$0x0], $0xffff;
	v34 =	vunpack.i.l.bf16.f32 v10  }
0x74: {  	v53 =	vmul.f32 v33, v8;
	v22 =	vadd.f32 v63, v31;
	v31 =	vld.idx.msk [tilespmem:v37+s4+$0x0], $0xffff;
	v34 =	vmul.f32 v34, v5  }
0x75: {  	v39 =	vld.idx.msk [tilespmem:v39+s4+$0x0], $0xffff;
	v38 =	vmul.f32 v38, v8;
	v40 =	vmul.f32 v40, v4;
	v21 =	vadd.s32 s26, v13  }
0x76: {  	v34 =	vadd.f32 v34, v53;
	v53 =	vmul.f32 v61, v8;
	v11 =	vunpack.i.u.bf16.f32 v25  }
0x77: {  	v25 =	vunpack.i.l.bf16.f32 v25;
	v16 =	vunpack.i.u.bf16.f32 v27;
	v17 =	vunpack.i.u.bf16.f32 v28  }
0x78: {  	v18 =	vunpack.i.u.bf16.f32 v26;
	v32 =	vmul.f32 v11, v8;
	v60 =	vunpack.i.u.bf16.f32 v30  }
0x79: {  	v43 =	vld.idx.msk [tilespmem:v43+s4+$0x0], $0xffff;
	v30 =	vunpack.i.l.bf16.f32 v30;
	v51 =	vunpack.i.u.bf16.f32 v31;
	v31 =	vunpack.i.l.bf16.f32 v31  }
0x7a: {  	v11 =	vunpack.i.u.bf16.f32 v39;
	v39 =	vunpack.i.l.bf16.f32 v39;
	v25 =	vmul.f32 v25, v8  }
0x7b: {  	v46 =	vld.idx.msk [tilespmem:v46+s4+$0x0], $0xffff;
	v27 =	vunpack.i.l.bf16.f32 v27;
	v35 =	vmul.f32 v16, v5;
	v36 =	vmul.f32 v17, v4  }
0x7c: {  	v28 =	vunpack.i.l.bf16.f32 v28;
	v37 =	vmul.f32 v18, v1;
	v30 =	vmul.f32 v30, v4  }
0x7d: {  	v26 =	vunpack.i.l.bf16.f32 v26;
	v31 =	vmul.f32 v31, v1;
	v16 =	vmul.f32 v58, v8  }
0x7e: {  	v41 =	vld.idx.msk [tilespmem:v41+s4+$0x0], $0xffff;
	v17 =	vmul.f32 v59, v5;
	v18 =	vmul.f32 v60, v4;
	v58 =	vunpack.i.u.bf16.f32 v43  }
0x7f: {  	v10 =	vld.idx.msk [tilespmem:v42+s4+$0x0], $0xffff;
	v39 =	vmul.f32 v39, v5;
	v43 =	vunpack.i.l.bf16.f32 v43;
	v42 =	vmul.f32 v11, v5  }
0x80: {  	v11 =	vld.idx.msk [tilespmem:v49+s4+$0x0], $0xffff;
	v49 =	vunpack.i.u.bf16.f32 v46;
	v27 =	vmul.f32 v27, v5;
	v28 =	vmul.f32 v28, v4  }
0x81: {  	v46 =	vunpack.i.l.bf16.f32 v46;
	v26 =	vmul.f32 v26, v1;
	v43 =	vmul.f32 v43, v5  }
0x82: {  	v24 =	vadd.s32 s26, v15;
	v58 =	vmul.f32 v58, v5;
	v46 =	vmul.f32 v46, v8  }
0x83: {  	v47 =	vld.idx.msk [tilespmem:v47+s4+$0x0], $0xffff;
	v49 =	vmul.f32 v49, v8;
	v32 =	vadd.f32 v35, v32;
	v19 =	vadd.f32 v37, v36  }
0x84: {  	v6 =	vld.idx.msk [tilespmem:v6+s4+$0x0], $0xffff;
	v35 =	vadd.f32 v31, v30;
	v31 =	vunpack.i.u.bf16.f32 v41;
	v41 =	vunpack.i.l.bf16.f32 v41  }
0x85: {  	v63 =	vld.idx.msk [tilespmem:v48+s4+$0x0], $0xffff;
	v36 =	vadd.f32 v17, v16;
	v38 =	vadd.f32 v39, v38;
	v16 =	vmul.f32 v62, v4  }
0x86: {  	v30 =	vld.idx.msk [tilespmem:v44+s4+$0x0], $0xffff;
	v42 =	vadd.f32 v42, v53;
	v41 =	vmul.f32 v41, v1;
	v31 =	vmul.f32 v31, v1  }
0x87: {  	v17 =	vld.idx.msk [tilespmem:v2+s4+$0x0], $0xffff;
	v33 =	vadd.f32 v19, v32;
	v19 =	vmul.f32 v51, v1;
	v32 =	vunpack.i.l.bf16.f32 v10  }
0x88: {  	v51 =	vld.idx.msk [tilespmem:v45+s4+$0x0], $0xffff;
	v45 =	vunpack.i.u.bf16.f32 v10;
	v39 =	vadd.f32 v41, v40;
	v32 =	vmul.f32 v32, v8  }
0x89: {  	v59 =	vadd.f32 v31, v16;
	v31 =	vld.idx.msk [tilespmem:v50+s4+$0x0], $0xffff;
	v50 =	vunpack.i.u.bf16.f32 v47;
	v47 =	vunpack.i.l.bf16.f32 v47  }
0x8a: {  	v40 =	vunpack.i.l.bf16.f32 v63;
	v45 =	vmul.f32 v45, v8;
	v48 =	vunpack.i.l.bf16.f32 v11  }
0x8b: {  	v37 =	vadd.f32 v19, v18;
	v18 =	vunpack.i.u.bf16.f32 v63;
	v19 =	vunpack.i.u.bf16.f32 v11  }
0x8c: {  	v47 =	vmul.f32 v47, v5;
	v60 =	vunpack.i.u.bf16.f32 v30;
	v30 =	vunpack.i.l.bf16.f32 v30  }
0x8d: {  	v43 =	vadd.f32 v43, v32;
	v45 =	vadd.f32 v58, v45;
	v11 =	vunpack.i.u.bf16.f32 v17  }
0x8e: {  	v32 =	vunpack.i.l.bf16.f32 v17;
	v17 =	vunpack.i.u.bf16.f32 v6;
	v44 =	vunpack.i.l.bf16.f32 v51  }
0x8f: {  	v29 =	vld.idx.msk [tilespmem:v29+s4+$0x0], $0xffff;
	v6 =	vunpack.i.l.bf16.f32 v6;
	v30 =	vmul.f32 v30, v4;
	v44 =	vmul.f32 v44, v1  }
0x90: {  	v2 =	vmul.f32 v18, v4;
	v46 =	vadd.f32 v47, v46;
	v47 =	vld.idx.msk [tilespmem:v55+s4+$0x0], $0xffff;
	v32 =	vmul.f32 v32, v5  }
0x91: {  	v6 =	vmul.f32 v6, v1;
	v10 =	vunpack.i.u.bf16.f32 v51;
	v44 =	vadd.f32 v44, v30;
	v30 =	vld.idx.msk [tilespmem:v52+s4+$0x0], $0xffff  }
0x92: {  	v56 =	vld.idx.msk [tilespmem:v56+s4+$0x0], $0xffff;
	v63 =	vmul.f32 v11, v5;
	v41 =	vmul.f32 v10, v1;
	v10 =	vunpack.i.u.bf16.f32 v31  }
0x93: {  	v31 =	vunpack.i.l.bf16.f32 v31;
	v62 =	vmul.f32 v10, v8;
	v10 =	vadd.s32 s26, v9  }
0x94: {  	v57 =	vld.idx.msk [tilespmem:v57+s4+$0x0], $0xffff;
	v11 =	vunpack.i.l.bf16.f32 v29;
	v29 =	vunpack.i.u.bf16.f32 v29;
	v31 =	vmul.f32 v31, v8  }
0x95: {  	v24 =	vld.idx.msk [tilespmem:v24+s4+$0x0], $0xffff;
	v29 =	vmul.f32 v29, v5;
	v52 =	vmul.f32 v19, v1;
	v19 =	vunpack.i.l.bf16.f32 v47  }
0x96: {  	v61 =	vadd.f32 v32, v31;
	v16 =	vunpack.i.u.bf16.f32 v30;
	v30 =	vunpack.i.l.bf16.f32 v30  }
0x97: {  	v54 =	vld.idx.msk [tilespmem:v54+s4+$0x0], $0xffff;
	v31 =	vunpack.i.l.bf16.f32 v56;
	v58 =	vadd.f32 v63, v62;
	v30 =	vmul.f32 v30, v4  }
0x98: {  	v47 =	vunpack.i.u.bf16.f32 v47;
	v2 =	vadd.f32 v52, v2;
	v52 =	vmul.f32 v19, v5;
	v32 =	vld.idx.msk [tilespmem:v10+s4+$0x0], $0xffff  }
0x99: {  	v21 =	vld.idx.msk [tilespmem:v21+s4+$0x0], $0xffff;
	v31 =	vmul.f32 v31, v4;
	[tilespmem:$0x1FF10] =	vst v5;
	v6 =	vadd.f32 v6, v30;
	v30 =	vunpack.i.l.bf16.f32 v57  }
0x9a: {  	v19 =	vunpack.i.u.bf16.f32 v24;
	v24 =	vunpack.i.l.bf16.f32 v24;
	[tilespmem:$0x1FF20] =	vst v8;
	v30 =	vmul.f32 v30, v1  }
0x9b: {  	v62 =	vadd.f32 v27, v25;
	v47 =	vmul.f32 v47, v5;
	v24 =	vmul.f32 v24, v4;
	[tilespmem:$0x1FF30] =	vst v4  }
0x9c: {  	[tilespmem:$0x1FF40] =	vst v1;
	v55 =	vmul.f32 v16, v4;
	v16 =	vadd.f32 v30, v31;
	v31 =	vunpack.i.u.bf16.f32 v54  }
0x9d: {  	[tilespmem:s20+$0xFFFFE780] =	vst v23;
	v23 =	vadd.f32 v37, v36;
	v25 =	vunpack.i.l.bf16.f32 v32;
	v31 =	vmul.f32 v31, v8  }
0x9e: {  	[tilespmem:s20+$0xFFFFEA90] =	vst v22;
	v22 =	vadd.f32 v39, v38;
	v32 =	vunpack.i.u.bf16.f32 v32;
	v25 =	vmul.f32 v25, v1  }
0x9f: {  	v47 =	vadd.f32 v47, v31;
	v31 =	vunpack.i.l.bf16.f32 v21;
	v21 =	vunpack.i.u.bf16.f32 v21  }
0xa0: {  	[tilespmem:s20+$0x1570] =	vst v33;
	v53 =	vmul.f32 v32, v1;
	v32 =	vadd.f32 v25, v24;
	v21 =	vmul.f32 v21, v8  }
0xa1: {  	[tilespmem:s20+$0xFFFFF0B0] =	vst v23;
	v24 =	vadd.f32 v59, v42;
	v51 =	vmul.f32 v31, v8;
	v31 =	vadd.f32 v26, v28  }
0xa2: {  	v40 =	vmul.f32 v40, v4;
	[tilespmem:s20+$0xFFFFF3C0] =	vst v22;
	v28 =	vadd.f32 v29, v21;
	v21 =	vadd.f32 v35, v34  }
0xa3: {  	v50 =	vmul.f32 v50, v5;
	v60 =	vmul.f32 v60, v4;
	[tilespmem:s20+$0xFFFFF6D0] =	vst v24  }
0xa4: {  	v48 =	vmul.f32 v48, v1;
	v26 =	vmul.f32 v19, v4;
	[tilespmem:s20+$0xFFFFEDA0] =	vst v21  }
0xa5: {  	v18 =	vunpack.i.l.bf16.f32 v54;
	v49 =	vadd.f32 v50, v49;
	v41 =	vadd.f32 v41, v60;
	[tilespmem:$0x1FF50] =	vst v13  }
0xa6: {  	v50 =	vmul.f32 v18, v8;
	v29 =	vadd.f32 v53, v26;
	v26 =	vadd.f32 v44, v43;
	[tilespmem:$0x1FF60] =	vst v14  }
0xa7: {  	v40 =	vadd.f32 v48, v40;
	v48 =	vmul.f32 v17, v1;
	v17 =	vunpack.i.u.bf16.f32 v56;
	[tilespmem:$0x1FF70] =	vst v15  }
0xa8: {  	v18 =	vunpack.i.u.bf16.f32 v57;
	v50 =	vadd.f32 v52, v50;
	v57 =	vadd.f32 v41, v45;
	[tilespmem:s20+$0xFFFFF9E0] =	vst v26  }
0xa9: {  	s26 =	simm.s32 $0x2400;
	v52 =	vmul.f32 v17, v4;
	v60 =	vadd.f32 v2, v49;
	v59 =	vadd.f32 v40, v46;
	[tilespmem:$0x1FF80] =	vst v9  }
0xaa: {  	s29 =	simm.s32 $0x2800;
	v39 =	vadd.s32 s26, v12;
	v38 =	vadd.s32 s26, v0;
	v36 =	vadd.s32 s26, v3;
	[tilespmem:s20+$0xFFFFFCF0] =	vst v57  }
0xab: {  	s31 =	simm.s32 $0x3C00;
	v37 =	vadd.s32 s26, v7;
	v33 =	vadd.s32 s29, v3;
	v48 =	vadd.f32 v48, v55;
	[tilespmem:s20+$0x0] =	vst v59  }
0xac: {  	s23 =	simm.s32 $0x2000;
	v41 =	vadd.s32 s31, v12;
	v63 =	vadd.f32 v6, v61;
	v54 =	vmul.f32 v18, v1;
	[tilespmem:$0x1FF90] =	vst v12  }
0xad: {  	v23 =	vadd.f32 v48, v58;
	v30 =	vmul.f32 v11, v5;
	v40 =	vadd.s32 s23, v14;
	[tilespmem:s20+$0x310] =	vst v60  }
0xae: {  	v25 =	vadd.s32 s23, v15;
	v42 =	vadd.s32 s31, v0;
	v52 =	vadd.f32 v54, v52;
	[tilespmem:$0x1FFA0] =	vst v0  }
0xaf: {  	v22 =	vadd.f32 v16, v50;
	v24 =	vadd.s32 s23, v13;
	v30 =	vadd.f32 v30, v51;
	[tilespmem:$0x1FFB0] =	vst v3  }
0xb0: {  	s30 =	simm.s32 $0x2C00;
	s28 =	simm.s32 $0x3000;
	s22 =	smov.u32 s20;
	v34 =	vadd.s32 s29, v12;
	v43 =	vadd.s32 s31, v3;
	v35 =	vadd.s32 s29, v0;
	[tilespmem:s20+$0x620] =	vst v63  }
0xb1: {  	s25 =	simm.s32 $0x3800;
	s24 =	simm.s32 $0x8;
	s26 =	simm.s32 $0x3400;
	v44 =	vadd.s32 s31, v7;
	v21 =	vadd.f32 v52, v47;
	v26 =	vadd.s32 s23, v9;
	[tilespmem:$0x1FFC0] =	vst v7  }
.LBB2_5:
0xb2: {  	v40 =	vld.idx.msk [tilespmem:v40+s4+$0x0], $0xffff  }
0xb3: {  	v53 =	vld [tilespmem:$0x1FFC0]  }
0xb4: {  	v9 =	vld [tilespmem:$0x1FF90]  }
0xb5: {  	v27 =	vld [tilespmem:$0x1FFA0]  }
0xb6: {  	v51 =	vld [tilespmem:$0x1FFB0]  }
0xb7: {  	v41 =	vld.idx.msk [tilespmem:v41+s4+$0x0], $0xffff  }
0xb8: {  	v42 =	vld.idx.msk [tilespmem:v42+s4+$0x0], $0xffff  }
0xb9: {  	v43 =	vld.idx.msk [tilespmem:v43+s4+$0x0], $0xffff;
	[tilespmem:s22+$0x930] =	vst v23;
	v23 =	vadd.f32 v31, v62  }
0xba: {  	v44 =	vld.idx.msk [tilespmem:v44+s4+$0x0], $0xffff;
	v30 =	vadd.f32 v32, v30;
	v19 =	vadd.f32 v29, v28;
	v45 =	vadd.s32 s29, v53  }
0xbb: {  	v39 =	vld.idx.msk [tilespmem:v39+s4+$0x0], $0xffff;
	v46 =	vadd.s32 s30, v9;
	v47 =	vadd.s32 s30, v27;
	v48 =	vadd.s32 s30, v51  }
0xbc: {  	v12 =	vld [tilespmem:$0x1FF10];
	v49 =	vadd.s32 s30, v53;
	v50 =	vadd.s32 s28, v9;
	v1 =	vadd.s32 s28, v27  }
0xbd: {  	v17 =	vld.idx.msk [tilespmem:v36+s4+$0x0], $0xffff;
	v52 =	vadd.s32 s28, v51;
	v2 =	vadd.s32 s28, v53;
	v54 =	vadd.s32 s26, v9  }
0xbe: {  	v11 =	vld [tilespmem:$0x1FF30];
	v55 =	vadd.s32 s26, v27;
	v56 =	vadd.s32 s26, v51;
	v57 =	vadd.s32 s26, v53  }
0xbf: {  	[tilespmem:s22+$0xC40] =	vst v22;
	v10 =	vld [tilespmem:$0x1FF40];
	v58 =	vadd.s32 s25, v9;
	v59 =	vadd.s32 s25, v27;
	v60 =	vadd.s32 s25, v51  }
0xc0: {  	[tilespmem:s22+$0xF50] =	vst v21;
	v31 =	vld.idx.msk [tilespmem:v38+s4+$0x0], $0xffff;
	v61 =	vadd.s32 s25, v53;
	v21 =	vunpack.i.u.bf16.f32 v40;
	v22 =	vunpack.i.l.bf16.f32 v40  }
0xc1: {  	v18 =	vunpack.i.l.bf16.f32 v41;
	v63 =	vunpack.i.l.bf16.f32 v42;
	v4 =	vunpack.i.u.bf16.f32 v41  }
0xc2: {  	v28 =	vld.idx.msk [tilespmem:v37+s4+$0x0], $0xffff;
	v5 =	vunpack.i.u.bf16.f32 v42;
	v6 =	vunpack.i.u.bf16.f32 v43;
	v7 =	vunpack.i.u.bf16.f32 v44  }
0xc3: {  	v35 =	vld.idx.msk [tilespmem:v35+s4+$0x0], $0xffff;
	[tilespmem:s22+$0x1260] =	vst v23;
	s22 =	sadd.s32 $0x3100, s22;
	v41 =	vunpack.i.u.bf16.f32 v39;
	v8 =	vunpack.i.u.bf16.f32 v17;
	v0 =	vmul.f32 v22, v12  }
0xc4: {  	v33 =	vld.idx.msk [tilespmem:v33+s4+$0x0], $0xffff;
	[tilespmem:s22+$0xFFFFE780] =	vst v30;
	v32 =	vunpack.i.l.bf16.f32 v17;
	v16 =	vmul.f32 v21, v12;
	v36 =	vmul.f32 v5, v12  }
0xc5: {  	v29 =	vld.idx.msk [tilespmem:v34+s4+$0x0], $0xffff;
	[tilespmem:s22+$0xFFFFEA90] =	vst v19;
	v37 =	vmul.f32 v6, v11;
	v40 =	vmul.f32 v7, v10;
	v42 =	vunpack.i.u.bf16.f32 v31  }
0xc6: {  	v26 =	vld.idx.msk [tilespmem:v26+s4+$0x0], $0xffff;
	v31 =	vunpack.i.l.bf16.f32 v31;
	v32 =	vmul.f32 v32, v11;
	v62 =	vmul.f32 v8, v11  }
0xc7: {  	v24 =	vld.idx.msk [tilespmem:v24+s4+$0x0], $0xffff;
	v15 =	vunpack.i.u.bf16.f32 v28;
	v31 =	vmul.f32 v31, v12;
	v42 =	vmul.f32 v42, v12;
	[tilespmem:$0x1FEE0] =	vst v0  }
0xc8: {  	[tilespmem:$0x1FEF0] =	vst v16;
	v0 =	vld [tilespmem:$0x1FF20];
	v14 =	vadd.f32 v40, v37;
	v16 =	vunpack.i.l.bf16.f32 v28;
	v28 =	vunpack.i.l.bf16.f32 v43  }
0xc9: {  	v43 =	vunpack.i.u.bf16.f32 v33;
	v33 =	vunpack.i.l.bf16.f32 v33;
	v37 =	vmul.f32 v15, v10;
	v45 =	vld.idx.msk [tilespmem:v45+s4+$0x0], $0xffff  }
0xca: {  	v39 =	vunpack.i.l.bf16.f32 v39;
	v40 =	vmul.f32 v16, v10;
	v33 =	vmul.f32 v33, v11;
	v46 =	vld.idx.msk [tilespmem:v46+s4+$0x0], $0xffff  }
0xcb: {  	[tilespmem:$0x1FEC0] =	vst v63;
	v63 =	vunpack.i.u.bf16.f32 v29;
	v43 =	vmul.f32 v43, v11;
	v28 =	vmul.f32 v28, v11;
	v47 =	vld.idx.msk [tilespmem:v47+s4+$0x0], $0xffff  }
0xcc: {  	v48 =	vld.idx.msk [tilespmem:v48+s4+$0x0], $0xffff;
	v15 =	vunpack.i.u.bf16.f32 v26;
	v26 =	vunpack.i.l.bf16.f32 v26;
	v16 =	vunpack.i.u.bf16.f32 v24  }
0xcd: {  	v49 =	vld.idx.msk [tilespmem:v49+s4+$0x0], $0xffff;
	v24 =	vunpack.i.l.bf16.f32 v24;
	v26 =	vmul.f32 v26, v10;
	v15 =	vmul.f32 v15, v10  }
0xce: {  	v50 =	vld.idx.msk [tilespmem:v50+s4+$0x0], $0xffff;
	v37 =	vadd.f32 v37, v62;
	v3 =	vmul.f32 v18, v0;
	v34 =	vmul.f32 v4, v0  }
0xcf: {  	v13 =	vld.idx.msk [tilespmem:v1+s4+$0x0], $0xffff;
	v4 =	vunpack.i.l.bf16.f32 v29;
	v30 =	vmul.f32 v39, v0;
	v41 =	vmul.f32 v41, v0  }
0xd0: {  	v19 =	vld.idx.msk [tilespmem:v2+s4+$0x0], $0xffff;
	v29 =	vunpack.i.l.bf16.f32 v44;
	v63 =	vmul.f32 v63, v0;
	v24 =	vmul.f32 v24, v0  }
0xd1: {  	v54 =	vld.idx.msk [tilespmem:v54+s4+$0x0], $0xffff;
	v16 =	vmul.f32 v16, v0;
	v2 =	vmul.f32 v4, v0;
	v34 =	vadd.f32 v36, v34  }
0xd2: {  	v55 =	vld.idx.msk [tilespmem:v55+s4+$0x0], $0xffff;
	v36 =	vunpack.i.u.bf16.f32 v35;
	v35 =	vunpack.i.l.bf16.f32 v35;
	v17 =	vunpack.i.l.bf16.f32 v45  }
0xd3: {  	v56 =	vld.idx.msk [tilespmem:v56+s4+$0x0], $0xffff;
	v38 =	vunpack.i.u.bf16.f32 v46;
	v23 =	vunpack.i.u.bf16.f32 v47;
	v47 =	vunpack.i.l.bf16.f32 v47  }
0xd4: {  	v59 =	vld.idx.msk [tilespmem:v59+s4+$0x0], $0xffff;
	v21 =	vunpack.i.u.bf16.f32 v48;
	v48 =	vunpack.i.l.bf16.f32 v48;
	v1 =	vunpack.i.u.bf16.f32 v49  }
0xd5: {  	v49 =	vunpack.i.l.bf16.f32 v49;
	v22 =	vunpack.i.u.bf16.f32 v50;
	v50 =	vunpack.i.l.bf16.f32 v50  }
0xd6: {  	v60 =	vld.idx.msk [tilespmem:v60+s4+$0x0], $0xffff;
	[tilespmem:$0x1FED0] =	vst v3;
	v3 =	vunpack.i.u.bf16.f32 v13;
	v44 =	vunpack.i.l.bf16.f32 v13;
	v8 =	vunpack.i.u.bf16.f32 v19  }
0xd7: {  	v18 =	vld.idx.msk [tilespmem:v52+s4+$0x0], $0xffff;
	v52 =	vunpack.i.l.bf16.f32 v19;
	v5 =	vunpack.i.u.bf16.f32 v54;
	v54 =	vunpack.i.l.bf16.f32 v54  }
0xd8: {  	v6 =	vunpack.i.u.bf16.f32 v55;
	v55 =	vunpack.i.l.bf16.f32 v55;
	v4 =	vunpack.i.u.bf16.f32 v56  }
0xd9: {  	v61 =	vld.idx.msk [tilespmem:v61+s4+$0x0], $0xffff;
	v56 =	vunpack.i.l.bf16.f32 v56;
	v19 =	vunpack.i.u.bf16.f32 v59;
	v35 =	vmul.f32 v35, v12  }
0xda: {  	v59 =	vunpack.i.l.bf16.f32 v59;
	v39 =	vmul.f32 v17, v10;
	v36 =	vmul.f32 v36, v12  }
0xdb: {  	v57 =	vld.idx.msk [tilespmem:v57+s4+$0x0], $0xffff;
	v20 =	vunpack.i.u.bf16.f32 v60;
	v47 =	vmul.f32 v47, v12;
	v48 =	vmul.f32 v48, v11  }
0xdc: {  	v30 =	vadd.f32 v31, v30;
	v49 =	vmul.f32 v49, v10;
	v31 =	vmul.f32 v23, v12  }
0xdd: {  	v60 =	vunpack.i.l.bf16.f32 v60;
	v1 =	vmul.f32 v1, v10;
	v3 =	vmul.f32 v3, v12  }
0xde: {  	v13 =	vunpack.i.u.bf16.f32 v61;
	v8 =	vmul.f32 v8, v10;
	v62 =	vmul.f32 v55, v12  }
0xdf: {  	v61 =	vunpack.i.l.bf16.f32 v61;
	v5 =	vmul.f32 v5, v0;
	v6 =	vmul.f32 v6, v12  }
0xe0: {  	v17 =	vunpack.i.u.bf16.f32 v57;
	v4 =	vmul.f32 v4, v11;
	v55 =	vmul.f32 v61, v10  }
0xe1: {  	v58 =	vld.idx.msk [tilespmem:v58+s4+$0x0], $0xffff;
	v57 =	vunpack.i.l.bf16.f32 v57;
	v19 =	vmul.f32 v19, v12;
	v20 =	vmul.f32 v20, v11  }
0xe2: {  	v13 =	vmul.f32 v13, v10;
	v34 =	vadd.f32 v14, v34;
	v14 =	vunpack.i.l.bf16.f32 v46  }
0xe3: {  	[tilespmem:$0x1FF00] =	vst v30;
	v30 =	vmul.f32 v38, v0;
	v38 =	vadd.f32 v40, v32;
	v32 =	vmul.f32 v21, v11  }
0xe4: {  	v40 =	vadd.f32 v42, v41;
	v41 =	vmul.f32 v50, v0;
	v42 =	vmul.f32 v44, v12  }
0xe5: {  	v25 =	vld.idx.msk [tilespmem:v25+s4+$0x0], $0xffff;
	v17 =	vmul.f32 v17, v10;
	v7 =	vunpack.i.u.bf16.f32 v18;
	v46 =	vunpack.i.l.bf16.f32 v18  }
0xe6: {  	v18 =	vunpack.i.u.bf16.f32 v58;
	v58 =	vunpack.i.l.bf16.f32 v58;
	v21 =	vadd.f32 v35, v2  }
0xe7: {  	s23 =	sadd.s32 $0x2000, s23;
	v2 =	vmul.f32 v22, v0;
	v35 =	vadd.f32 v36, v63;
	v36 =	vmul.f32 v54, v0  }
0xe8: {  	s31 =	sadd.s32 $0x400, s23;
	v33 =	vadd.f32 v39, v33;
	v63 =	vmul.f32 v56, v11;
	v54 =	vmul.f32 v60, v11  }
0xe9: {  	v5 =	vadd.f32 v6, v5;
	v13 =	vadd.f32 v13, v20;
	v39 =	vadd.s32 s31, v9  }
0xea: {  	[tilespmem:s22+$0x1570] =	vst v34;
	v34 =	vunpack.i.u.bf16.f32 v45;
	v45 =	vmul.f32 v14, v0;
	v14 =	vunpack.i.u.bf16.f32 v25  }
0xeb: {  	v25 =	vunpack.i.l.bf16.f32 v25;
	v44 =	vmul.f32 v46, v11;
	v46 =	vmul.f32 v52, v10  }
0xec: {  	v7 =	vmul.f32 v7, v11;
	v1 =	vadd.f32 v1, v32;
	v41 =	vadd.f32 v42, v41  }
0xed: {  	v52 =	vmul.f32 v57, v10;
	v4 =	vadd.f32 v17, v4;
	v2 =	vadd.f32 v3, v2  }
0xee: {  	v18 =	vmul.f32 v18, v0;
	v36 =	vadd.f32 v62, v36;
	v45 =	vadd.f32 v47, v45  }
0xef: {  	v34 =	vmul.f32 v34, v10;
	v47 =	vadd.f32 v49, v48;
	v48 =	vadd.f32 v31, v30  }
0xf0: {  	v30 =	vmul.f32 v58, v0;
	v42 =	vadd.f32 v46, v44;
	v7 =	vadd.f32 v8, v7  }
0xf1: {  	v56 =	vld [tilespmem:$0x1FEC0];
	v31 =	vmul.f32 v59, v12;
	v58 =	vadd.f32 v52, v63;
	v59 =	vadd.f32 v55, v54  }
0xf2: {  	v61 =	vld [tilespmem:$0x1FF70];
	v25 =	vmul.f32 v25, v11;
	v18 =	vadd.f32 v19, v18;
	v52 =	vadd.f32 v37, v40  }
0xf3: {  	v60 =	vld [tilespmem:$0x1FF60];
	v14 =	vmul.f32 v14, v11;
	v54 =	vadd.f32 v33, v21;
	v23 =	vadd.f32 v4, v5  }
0xf4: {  	v57 =	vmul.f32 v29, v10;
	v44 =	vld [tilespmem:$0x1FEE0];
	v34 =	vadd.f32 v34, v43;
	v32 =	vadd.f32 v26, v25  }
0xf5: {  	v46 =	vld [tilespmem:$0x1FEF0];
	v37 =	vadd.s32 s31, v53;
	v29 =	vadd.f32 v15, v14;
	v6 =	vadd.f32 v31, v30  }
0xf6: {  	s29 =	sadd.s32 $0x800, s23;
	v49 =	vld [tilespmem:$0x1FF00];
	v3 =	vmul.f32 v56, v12;
	v31 =	vadd.f32 v57, v28;
	v56 =	vadd.f32 v47, v45;
	[tilespmem:s22+$0xFFFFF0B0] =	vst v52  }
0xf7: {  	v63 =	vld [tilespmem:$0x1FF80];
	v33 =	vadd.s32 s29, v51;
	v1 =	vadd.f32 v1, v48;
	v57 =	vadd.f32 v42, v41;
	[tilespmem:s22+$0xFFFFF3C0] =	vst v54  }
0xf8: {  	s24 =	sadd.s32 $0x8, s24;
	v43 =	vld [tilespmem:$0x1FED0];
	v25 =	vadd.s32 s23, v61;
	v2 =	vadd.f32 v7, v2;
	v58 =	vadd.f32 v58, v36;
	[tilespmem:s22+$0xFFFFF9E0] =	vst v56  }
0xf9: {  	s0 =	sadd.s32 $0x1C00, s23;
	p1 =	slt.u32 s24, $0x18;
	v21 =	vadd.f32 v13, v18;
	v40 =	vadd.s32 s23, v60;
	v22 =	vadd.f32 v59, v6;
	v59 =	vld [tilespmem:$0x1FF50];
	[tilespmem:s22+$0xFFFFFCF0] =	vst v1  }
.Ltmp0:
0xfa: {  	v41 =	vadd.s32 s0, v9;
	v36 =	vadd.s32 s31, v51;
	v42 =	vadd.s32 s0, v27;
	[tilespmem:s22+$0x0] =	vst v57;
	(pc) =	sbr.rel @p1 .LBB2_5-.Ltmp0, $4  }
0xfb: {  	v55 =	vadd.f32 v34, v35;
	v34 =	vadd.s32 s29, v9;
	[tilespmem:s22+$0x310] =	vst v2;
	v30 =	vadd.f32 v44, v24  }
0xfc: {  	v35 =	vadd.s32 s29, v27;
	[tilespmem:s22+$0x620] =	vst v58;
	v28 =	vadd.f32 v46, v16;
	v50 =	vadd.f32 v38, v49  }
0xfd: {  	s30 =	sadd.s32 $0xC00, s23;
	[tilespmem:s22+$0xFFFFF6D0] =	vst v55;
	v26 =	vadd.s32 s23, v63;
	v38 =	vadd.s32 s31, v27;
	v44 =	vadd.s32 s0, v53  }
0xfe: {  	s28 =	sadd.s32 $0x1000, s23;
	s26 =	sadd.s32 $0x1400, s23;
	s25 =	sadd.s32 $0x1800, s23;
	v62 =	vadd.f32 v3, v43;
	v43 =	vadd.s32 s0, v51;
	[tilespmem:s22+$0xFFFFEDA0] =	vst v50;
	v24 =	vadd.s32 s23, v59  }
0xff: {  	_ = 	snop  }
0x100: {  	v11 =	vld [tilespmem:$0x1FFC0]  }
0x101: {  	v12 =	vld [tilespmem:$0x1FF90]  }
0x102: {  	v9 =	vld [tilespmem:$0x1FFA0]  }
0x103: {  	v3 =	vld.idx.msk [tilespmem:v41+s4+$0x0], $0xffff  }
0x104: {  	v10 =	vld [tilespmem:$0x1FFB0]  }
0x105: {  	v7 =	vld.idx.msk [tilespmem:v42+s4+$0x0], $0xffff  }
0x106: {  	v18 =	vld.idx.msk [tilespmem:v43+s4+$0x0], $0xffff;
	v16 =	vadd.f32 v32, v30  }
0x107: {  	v19 =	vld.idx.msk [tilespmem:v44+s4+$0x0], $0xffff;
	v15 =	vadd.f32 v29, v28;
	v17 =	vadd.f32 v31, v62  }
0x108: {  	v39 =	vld.idx.msk [tilespmem:v39+s4+$0x0], $0xffff;
	v0 =	vadd.s32 s29, v11;
	v1 =	vadd.s32 s30, v12;
	v2 =	vadd.s32 s30, v9  }
0x109: {  	v27 =	vld.idx.msk [tilespmem:v38+s4+$0x0], $0xffff;
	v4 =	vadd.s32 s30, v10;
	v5 =	vadd.s32 s30, v11;
	v6 =	vadd.s32 s28, v12  }
0x10a: {  	v63 =	vld.idx.msk [tilespmem:v37+s4+$0x0], $0xffff;
	v8 =	vadd.s32 s28, v9;
	v20 =	vadd.s32 s28, v10;
	v24 =	vadd.s32 s28, v11  }
0x10b: {  	v53 =	vld [tilespmem:$0x1FF20];
	v25 =	vadd.s32 s26, v12;
	v26 =	vadd.s32 s26, v9;
	v40 =	vadd.s32 s26, v10  }
0x10c: {  	v54 =	vld.idx.msk [tilespmem:v35+s4+$0x0], $0xffff;
	v41 =	vadd.s32 s26, v11;
	v42 =	vadd.s32 s25, v12;
	v43 =	vadd.s32 s25, v9  }
0x10d: {  	v33 =	vld.idx.msk [tilespmem:v33+s4+$0x0], $0xffff;
	v44 =	vadd.s32 s25, v10;
	v45 =	vadd.s32 s25, v11;
	v13 =	vunpack.i.l.bf16.f32 v3  }
0x10e: {  	v51 =	vld [tilespmem:$0x1FF30];
	v14 =	vunpack.i.l.bf16.f32 v7;
	v3 =	vunpack.i.u.bf16.f32 v3;
	v7 =	vunpack.i.u.bf16.f32 v7  }
0x10f: {  	v62 =	vld.idx.msk [tilespmem:v36+s4+$0x0], $0xffff;
	v46 =	vunpack.i.u.bf16.f32 v18;
	v47 =	vunpack.i.u.bf16.f32 v19;
	v55 =	vunpack.i.u.bf16.f32 v39  }
0x110: {  	v12 =	vld.idx.msk [tilespmem:v34+s4+$0x0], $0xffff;
	v56 =	vunpack.i.l.bf16.f32 v39;
	v59 =	vunpack.i.u.bf16.f32 v27;
	v27 =	vunpack.i.l.bf16.f32 v27  }
0x111: {  	v11 =	vld [tilespmem:$0x1FF10];
	v28 =	vunpack.i.l.bf16.f32 v63;
	v57 =	vunpack.i.u.bf16.f32 v54;
	v34 =	vunpack.i.l.bf16.f32 v54  }
0x112: {  	v9 =	vld [tilespmem:$0x1FF40];
	v18 =	vunpack.i.l.bf16.f32 v18;
	v58 =	vunpack.i.u.bf16.f32 v33;
	v13 =	vmul.f32 v13, v53  }
0x113: {  	v33 =	vunpack.i.l.bf16.f32 v33;
	v3 =	vmul.f32 v3, v53;
	v31 =	vmul.f32 v46, v51  }
0x114: {  	v30 =	vunpack.i.l.bf16.f32 v62;
	v36 =	vmul.f32 v56, v53;
	v35 =	vmul.f32 v55, v53  }
0x115: {  	v60 =	vunpack.i.u.bf16.f32 v62;
	v33 =	vmul.f32 v33, v51;
	v30 =	vmul.f32 v30, v51  }
0x116: {  	v19 =	vunpack.i.l.bf16.f32 v19;
	v38 =	vmul.f32 v60, v51;
	v7 =	vmul.f32 v7, v11;
	v0 =	vld.idx.msk [tilespmem:v0+s4+$0x0], $0xffff  }
0x117: {  	v62 =	vunpack.i.u.bf16.f32 v63;
	v32 =	vmul.f32 v47, v9;
	v1 =	vld.idx.msk [tilespmem:v1+s4+$0x0], $0xffff;
	v27 =	vmul.f32 v27, v11  }
0x118: {  	v2 =	vld.idx.msk [tilespmem:v2+s4+$0x0], $0xffff;
	v29 =	vunpack.i.l.bf16.f32 v12;
	v28 =	vmul.f32 v28, v9;
	v37 =	vmul.f32 v59, v11  }
0x119: {  	v63 =	vunpack.i.u.bf16.f32 v12;
	v4 =	vld.idx.msk [tilespmem:v4+s4+$0x0], $0xffff;
	v34 =	vmul.f32 v34, v11;
	v29 =	vmul.f32 v29, v53  }
0x11a: {  	v5 =	vld.idx.msk [tilespmem:v5+s4+$0x0], $0xffff;
	v3 =	vadd.f32 v7, v3;
	v61 =	vadd.f32 v32, v31;
	v31 =	vmul.f32 v62, v9  }
0x11b: {  	v6 =	vld.idx.msk [tilespmem:v6+s4+$0x0], $0xffff;
	v27 =	vadd.f32 v27, v36;
	v28 =	vadd.f32 v28, v30;
	v32 =	vmul.f32 v63, v53  }
0x11c: {  	v8 =	vld.idx.msk [tilespmem:v8+s4+$0x0], $0xffff;
	v35 =	vadd.f32 v37, v35;
	v7 =	vmul.f32 v57, v11;
	v29 =	vadd.f32 v34, v29  }
0x11d: {  	v39 =	vmul.f32 v58, v51;
	v20 =	vld.idx.msk [tilespmem:v20+s4+$0x0], $0xffff;
	v3 =	vadd.f32 v61, v3;
	v31 =	vadd.f32 v31, v38  }
0x11e: {  	v24 =	vld.idx.msk [tilespmem:v24+s4+$0x0], $0xffff;
	v7 =	vadd.f32 v7, v32;
	v27 =	vadd.f32 v28, v27;
	v46 =	vunpack.i.u.bf16.f32 v0  }
0x11f: {  	v25 =	vld.idx.msk [tilespmem:v25+s4+$0x0], $0xffff;
	v0 =	vunpack.i.l.bf16.f32 v0;
	v47 =	vunpack.i.u.bf16.f32 v1;
	v1 =	vunpack.i.l.bf16.f32 v1  }
0x120: {  	v26 =	vld.idx.msk [tilespmem:v26+s4+$0x0], $0xffff;
	v48 =	vunpack.i.u.bf16.f32 v2;
	v2 =	vunpack.i.l.bf16.f32 v2;
	v49 =	vunpack.i.u.bf16.f32 v4  }
0x121: {  	v4 =	vunpack.i.l.bf16.f32 v4;
	v50 =	vunpack.i.u.bf16.f32 v5;
	v5 =	vunpack.i.l.bf16.f32 v5  }
0x122: {  	v40 =	vld.idx.msk [tilespmem:v40+s4+$0x0], $0xffff;
	v59 =	vunpack.i.u.bf16.f32 v6;
	v6 =	vunpack.i.l.bf16.f32 v6;
	v52 =	vunpack.i.u.bf16.f32 v8  }
0x123: {  	v8 =	vunpack.i.l.bf16.f32 v8;
	v60 =	vunpack.i.u.bf16.f32 v20;
	v20 =	vunpack.i.l.bf16.f32 v20  }
0x124: {  	v41 =	vld.idx.msk [tilespmem:v41+s4+$0x0], $0xffff;
	v54 =	vunpack.i.u.bf16.f32 v24;
	v24 =	vunpack.i.l.bf16.f32 v24;
	v55 =	vunpack.i.u.bf16.f32 v25  }
0x125: {  	v25 =	vunpack.i.l.bf16.f32 v25;
	v61 =	vunpack.i.u.bf16.f32 v26;
	v0 =	vmul.f32 v0, v9  }
0x126: {  	v42 =	vld.idx.msk [tilespmem:v42+s4+$0x0], $0xffff;
	v26 =	vunpack.i.l.bf16.f32 v26;
	v46 =	vmul.f32 v46, v9;
	v1 =	vmul.f32 v1, v53  }
0x127: {  	v62 =	vunpack.i.u.bf16.f32 v40;
	v2 =	vmul.f32 v2, v11;
	v4 =	vmul.f32 v4, v51  }
0x128: {  	v43 =	vld.idx.msk [tilespmem:v43+s4+$0x0], $0xffff;
	v40 =	vunpack.i.l.bf16.f32 v40;
	v5 =	vmul.f32 v5, v9;
	v47 =	vmul.f32 v47, v53  }
0x129: {  	v63 =	vunpack.i.u.bf16.f32 v41;
	v48 =	vmul.f32 v48, v11;
	v49 =	vmul.f32 v49, v51  }
0x12a: {  	v45 =	vld.idx.msk [tilespmem:v45+s4+$0x0], $0xffff;
	v41 =	vunpack.i.l.bf16.f32 v41;
	v50 =	vmul.f32 v50, v9;
	v6 =	vmul.f32 v6, v53  }
0x12b: {  	v38 =	vunpack.i.u.bf16.f32 v42;
	v8 =	vmul.f32 v8, v11;
	v20 =	vmul.f32 v20, v51  }
0x12c: {  	v42 =	vunpack.i.l.bf16.f32 v42;
	v24 =	vmul.f32 v24, v9;
	v10 =	vmul.f32 v59, v53  }
0x12d: {  	v34 =	vunpack.i.u.bf16.f32 v43;
	v52 =	vmul.f32 v52, v11;
	v12 =	vmul.f32 v60, v51  }
0x12e: {  	v43 =	vunpack.i.l.bf16.f32 v43;
	v54 =	vmul.f32 v54, v9;
	v25 =	vmul.f32 v25, v53  }
0x12f: {  	v32 =	vunpack.i.u.bf16.f32 v45;
	v26 =	vmul.f32 v26, v11;
	v56 =	vmul.f32 v40, v51  }
0x130: {  	[tilespmem:s22+$0x930] =	vst v23;
	v45 =	vunpack.i.l.bf16.f32 v45;
	v57 =	vmul.f32 v41, v9;
	v58 =	vmul.f32 v55, v53  }
0x131: {  	v44 =	vld.idx.msk [tilespmem:v44+s4+$0x0], $0xffff;
	v59 =	vmul.f32 v61, v11;
	v60 =	vmul.f32 v62, v51;
	v0 =	vadd.f32 v0, v33  }
0x132: {  	[tilespmem:s22+$0xC40] =	vst v22;
	v61 =	vmul.f32 v63, v9;
	v39 =	vadd.f32 v46, v39;
	v1 =	vadd.f32 v2, v1  }
0x133: {  	[tilespmem:s22+$0xF50] =	vst v21;
	v63 =	vmul.f32 v42, v53;
	v4 =	vadd.f32 v5, v4;
	v62 =	vadd.f32 v48, v47  }
0x134: {  	s0 =	sadd.s32 $0x3100, s22;
	[tilespmem:s22+$0x1260] =	vst v17;
	v42 =	vmul.f32 v43, v11;
	v41 =	vadd.f32 v50, v49;
	v6 =	vadd.f32 v8, v6  }
0x135: {  	[tilespmem:s0+$0xFFFFE780] =	vst v16;
	v55 =	vmul.f32 v32, v9;
	v43 =	vadd.f32 v24, v20;
	v46 =	vadd.f32 v52, v10  }
0x136: {  	[tilespmem:s0+$0xFFFFEA90] =	vst v15;
	v33 =	vunpack.i.u.bf16.f32 v44;
	v48 =	vadd.f32 v54, v12;
	v25 =	vadd.f32 v26, v25  }
0x137: {  	[tilespmem:s0+$0x1570] =	vst v3;
	v44 =	vunpack.i.l.bf16.f32 v44;
	v50 =	vadd.f32 v31, v35;
	v23 =	vadd.f32 v57, v56  }
0x138: {  	[tilespmem:s0+$0xFFFFEDA0] =	vst v27;
	v49 =	vmul.f32 v45, v9;
	v2 =	vadd.f32 v59, v58;
	v0 =	vadd.f32 v0, v29  }
0x139: {  	v52 =	vmul.f32 v38, v53;
	v5 =	vadd.f32 v61, v60;
	v7 =	vadd.f32 v39, v7;
	[tilespmem:s0+$0xFFFFF0B0] =	vst v50  }
0x13a: {  	v53 =	vmul.f32 v34, v11;
	v3 =	vadd.f32 v42, v63;
	v1 =	vadd.f32 v4, v1;
	[tilespmem:s0+$0xFFFFF3C0] =	vst v0  }
0x13b: {  	v57 =	vmul.f32 v14, v11;
	v59 =	vmul.f32 v18, v51;
	v56 =	vadd.f32 v41, v62;
	[tilespmem:s0+$0xFFFFF6D0] =	vst v7  }
0x13c: {  	v47 =	vmul.f32 v44, v51;
	v6 =	vadd.f32 v43, v6;
	v60 =	vadd.f32 v53, v52;
	[tilespmem:s0+$0xFFFFF9E0] =	vst v1  }
0x13d: {  	v54 =	vmul.f32 v33, v51;
	v10 =	vadd.f32 v48, v46;
	v62 =	vadd.f32 v23, v25;
	[tilespmem:s0+$0xFFFFFCF0] =	vst v56  }
0x13e: {  	s21 =	sadd.s32 $0x1, s21;
	v61 =	vmul.f32 v19, v9;
	v63 =	vadd.f32 v57, v13;
	v58 =	vadd.f32 v49, v47;
	[tilespmem:s0+$0x0] =	vst v6  }
0x13f: {  	p1 =	sne.s32 s21, $0x31;
	v2 =	vadd.f32 v5, v2;
	v0 =	vadd.f32 v55, v54;
	[tilespmem:s0+$0x310] =	vst v10  }
.Ltmp1:
0x140: {  	v1 =	vadd.f32 v61, v59;
	[tilespmem:s0+$0x620] =	vst v62;
	v3 =	vadd.f32 v58, v3;
	(pc) =	sbr.rel @p1 .LBB2_4-.Ltmp1, $4  }
0x141: {  	[tilespmem:s0+$0x930] =	vst v2;
	v0 =	vadd.f32 v0, v60  }
0x142: {  	v1 =	vadd.f32 v1, v63;
	[tilespmem:s0+$0xC40] =	vst v3  }
0x143: {  	[tilespmem:s0+$0xF50] =	vst v0  }
0x144: {  	s20 =	sadd.s32 $0x10, s20;
	[tilespmem:s0+$0x1260] =	vst v1  }
0x145: {  	s0 =	simm.s32 @p0 $0x9EA0  }
0x146: {  	[spmem:s2] =	stream.linear.scatter @p0 [tilespmem:s0], [sflag:$0x1], $0xC400, $0x38;
	[tilespmem:$0x16F20] =	vst v63  }
0x147: {  	s0 =	simm.s32 @p0 $0x1  }
0x148: {  	_ =	swait.ge @p0 [sflag:s0], $0xC400  }
0x149: {  	s19 =	sadd.s32 @p0 s17, s19;
	s20 =	sshrl.u32 @p0 s2, $0x3;
	[sflag:s0] =	ssyncset.done @p0 $0x0  }
0x14a: {  	s21 =	simm.s32 @p0 $0x7;
	s22 =	simm.s32 @p0 $0x188;
	[sflag:s0] =	ssyncadd.s32 @p0 $0xFFFF3C00  }
0x14b: {  	s23 =	simm.s32 @p0 $0x62;
	s19 =	sshrl.u32 @p0 s19, $0x3;
	[bflag:$0x0] =	sbarrier.arrive @p0 $0xFFFF  }
0x14c: {  	s24 =	simm.s32 @p0 $0x1C01;
	s19 =	sadd.s32 @p0 s1, s19;
	[bflag:$0x0] =	sbarrier.arrive @p0 $0xFFFF  }
0x14d: {  	[hbm:s19@s22], [sflag:s24] =	dma.strided @p0 [spmem:s20@s23], $0x1880, s21, $0xe   }
0x14e: {  	_ =	swait.ge @p0 [sflag:s0], $0x1880  }
0x14f: {  	[sflag:s0] =	ssyncset.done @p0 $0x0  }
0x150: {  	s19 =	simm.s32 @!p0 $0x162A0;
	[sflag:s0] =	ssyncadd.s32 @p0 $0xFFFFE780  }
0x151: {  	s20 =	simm.s32 @!p0 $0x9EA0;
	s0 =	simm.s32 @!p0 $0x40;
	[bflag:$0x0] =	sbarrier.arrive @!p0 $0xFFFF  }
0x152: {  	[spmem:s2] =	stream.indirect.scatter.add.f32 @!p0 [tilespmem:s20], [sflag:$0x1], $0x310, s19, s0, $0xb8;
	[tilespmem:$0x16F20] =	vst v63  }
0x153: {  	s18 =	sadd.s32 $0x1, s18;
	s0 =	simm.s32 @!p0 $0x1  }
0x154: {  	p1 =	sne.s32 s18, $0x4;
	_ =	swait.ge @!p0 [sflag:s0], $0xC400  }
.Ltmp2:
0x155: {  	[sflag:s0] =	ssyncset.done @!p0 $0x0;
	(pc) =	sbr.rel @p1 .LBB2_3-.Ltmp2, $3  }
0x156: {  	[sflag:s0] =	ssyncadd.s32 @!p0 $0xFFFF3C00  }
0x157: {  	[bflag:$0x0] =	sbarrier.arrive @!p0 $0xFFFF  }
0x158: {  	[bflag:$0x0] =	sbarrier.arrive $0xFFFF;
	_ =	sdelay $0x1  }
0x159: {  	s15 =	sadd.s32 $0x1, s15  }
0x15a: {  	p1 =	sne.s32 s15, $0x10  }
.Ltmp3:
0x15b: {  	_ = 	snop;
	(pc) =	sbr.rel @p1 .LBB2_2-.Ltmp3, $1  }
0x15c: {  	_ =	sdelay $0x3  }
0x15d: {  	s14 =	sadd.s32 $0x1, s14  }
0x15e: {  	p1 =	sne.s32 s14, s9  }
.Ltmp4:
0x15f: {  	_ = 	snop;
	(pc) =	sbr.rel @p1 .LBB2_1-.Ltmp4, $1  }
0x160: {  	_ =	sdelay $0x3  }
0x161: {  	_ =	sfence.sel $0x180000  }
0x162: {  	[bflag:$0x0] =	sbarrier.arrive $0xFFFF  }
0x163: {  	_ =	strace $0x9000004A  }
0x164: {  	[bflag:$0x2] =	sbarrier.arrive $0xFFFF  }
0x165: {  	p0 =	sne.s32 s3, $0x0;
	s0 =	rddreg [dreg:$0x3]  }
0x166: {  	s0 =	sadd.s32 @!p0 $0x100000, s0  }
0x167: {  	[sflag:s0] =	ssyncadd.tile.s32 @!p0 $0x1;
	_ =	shalt  }
.Lfunc_end2:
_tile_overlayer_lowered:
.L_overlay_start_2:
0x168: {  	(tag) =	ssettag $0x2  }
0x169: {  	s0 =	rddreg [dreg:$0x0];
	s2 =	stileid.u32  }
0x16a: {  	s1 =	rddreg [dreg:$0x1];
	p0 =	sne.s32 s2, $0x0  }
0x16b: {  	s3 =	rddreg [dreg:$0x2];
	[bflag:$0x3] =	sbarrier.arrive $0xFFFF;
	s2 =	simm.s32 @!p0 $0x1C01  }
0x16c: {  	[timem:s3], [sflag:s2] =	dma.local @!p0 [hbm:s0], s1  }
0x16d: {  	s0 =	simm.s32 @!p0 $0x1  }
0x16e: {  	_ =	swait.ge @!p0 [sflag:s0], s1  }
0x16f: {  	s1 =	ssub.s32 @!p0 $0x0, s1;
	[sflag:s0] =	ssyncset.done @!p0 $0x0  }
0x170: {  	[sflag:s0] =	ssyncadd.s32 @!p0 s1  }
0x171: {  	[bflag:$0x3] =	sbarrier.arrive $0xFFFF  }
0x172: {  	_ =	shalt  }

// kernel: sparse-core-data-format-call.cloned.1.call-start
scs
called_computation_lowered:
.L_overlay_start_0:
0x0: {  	s2 =	sld [smem:$0x3FD9]  }
0x1: {  	s3 =	sld [smem:$0x3FFE];
	_ =	sdelay $0x1  }
0x2: {  	s1 =	srdreg.scid  }
0x3: {  	s0 =	sand.u32 $0x1, s1  }
0x4: {  	s18 =	sshll.u32 s0, $0xA;
	s2 =	sadd.s32 s3, s2  }
0x5: {  	s2 =	sadd.s32 s2, s18  }
0x6: {  	[smem:$0x3FC6] =	sst s2  }
0x7: {  	_ = 	snop  }
0x8: {  	s2 =	sld [smem:$0x3FC9];
	(tm) =	ssettm $0x1  }
0x9: {  	s19 =	sld [smem:$0x3FFB];
	_ =	sdelay $0x3  }
0xa: {  	_ =	strace s19  }
0xb: {  	s3 =	sld [smem:$0x3FFC];
	_ =	sdelay $0x3  }
0xc: {  	_ =	strace s3  }
0xd: {  	s3 =	sld [smem:$0x3FFD];
	_ =	sdelay $0x3  }
0xe: {  	_ =	strace s3  }
0xf: {  	_ =	strace $0x8FFFFFFF  }
0x10: {  	s20 =	sld [smem:$0x3FDB];
	_ =	sdelay $0x1  }
0x11: {  	s4 =	simm.s32 $_scs_section_size  }
0x12: {  	s5 =	simm.s32 $_size__tile_overlayer_lowered;
	s6 =	simm.s32 $_tile_overlayer_lowered  }
0x13: {  	s23 =	simm.s32 $0x1BFF;
	s22 =	sshll.u32 s6, $0x1;
	s3 =	sadd.s32 s4, s20  }
0x14: {  	s7 =	simm.s32 $0x0;
	s21 =	sshll.u32 s5, $0x1;
	s5 =	sadd.s32 s22, s3  }
0x15: {  	[timem:s7], [sflag:s23] =	dma.local [hbm:s5], s21  }
0x16: {  	_ =	swait.ge [sflag:s23], s21  }
0x17: {  	s4 =	ssub.s32 $0x0, s21;
	[sflag:s23] =	ssyncset.done $0x0  }
0x18: {  	[sflag:s23] =	ssyncadd.s32 s4;
	_ =	sdelay $0x1  }
0x19: {  	s24 =	simm.s32 $0x1B8B  }
0x1a: {  	_ =	swait.ge [sflag:s24], $0x1  }
0x1b: {  	[sflag:s24] =	ssyncset.done $0x0  }
0x1c: {  	s26 =	simm.s32 $0x1B8E;
	s25 =	sld [smem:$0x3FFE];
	[sflag:s24] =	ssyncadd.s32 $0xFFFFFFFF  }
0x1d: {  	s27 =	simm.s32 $execute0_lowered;
	[smem:$0x3FD2] =	sst s26  }
0x1e: {  	s5 =	sshll.u32 s27, $0x1;
	_ =	strace $0x80000046;
	[dreg:$0x1] =	wrdreg $0xFFFFFFFF  }
0x1f: {  	s28 =	simm.s32 $_size_execute0_lowered;
	s3 =	sadd.s32 s3, s5;
	[dreg:$0x0] =	wrdreg $0x0  }
0x20: {  	s5 =	sshll.u32 s28, $0x1;
	[dreg:$0x2] =	wrdreg s3  }
0x21: {  	[dreg:$0x3] =	wrdreg s5  }
0x22: {  	[dreg:$0x4] =	wrdreg $0xC0  }
0x23: {  	_ =	task [dreg:s7], $0x5FFFF  }
0x24: {  	[dreg:$0x1] =	wrdreg $0xFFFFFFFF  }
0x25: {  	[dreg:$0x0] =	wrdreg $0x60  }
0x26: {  	[dreg:$0x2] =	wrdreg s2  }
0x27: {  	[dreg:$0x3] =	wrdreg s25  }
0x28: {  	[dreg:$0x4] =	wrdreg $0x9  }
0x29: {  	_ =	task.clear_ibuf [dreg:s7], $0x5FFFF;
	_ =	strace $0x90000046  }
0x2a: {  	s29 =	simm.s32 $0x9;
	_ =	strace $0x80000048  }
0x2b: {  	_ =	swait.ge [sflag:s29], $0x1  }
0x2c: {  	[sflag:s29] =	ssyncadd.s32 $0xFFFFFFFF  }
0x2d: {  	_ =	strace $0x90000048  }
0x2e: {  	_ =	sfence  }
0x2f: {  	s30 =	sld [smem:$0x0];
	_ =	sdelay $0x2  }
0x30: {  	s31 =	sshll.u32 s1, $0xD;
	s1 =	sshrl.u32 s1, $0x2  }
0x31: {  	s3 =	sand.u32 $0x4000, s31;
	s1 =	sadd.s32 s1, s30  }
0x32: {  	s0 =	sor.u32 s3, s0;
	s1 =	sshll.u32 s1, $0x11  }
0x33: {  	s0 =	sor.u32 s1, s0  }
0x34: {  	s0 =	sadd.s32 $0x8F2B, s0  }
0x35: {  	[sflag:s0] =	ssyncadd.remote.s32 $0x1  }
0x36: {  	_ =	sfence.sel $0xFFFF  }
0x37: {  	[dreg:$0x0] =	wrdreg $0xFFFFFFFF;
	(pc) =	sbr.abs _section_cstart, $3  }
0x38: {  	[dreg:$0x1] =	wrdreg $0xFFFFFFFF  }
0x39: {  	_ =	task.clear_ibuf [dreg:s7], $0x2FFFF;
	_ =	strace $0x9FFFFFFF  }
0x3a: {  	(tm) =	ssettm $0x7FFFFFFF  }
0x3b: {  	_ =	shalt  }
tec
execute0_lowered:
.L_overlay_start_1:
0x0: {  	(tag) =	ssettag $0x1  }
0x1: {  	s0 =	srdreg.scid  }
0x2: {  	s1 =	rddreg [dreg:$0x1];
	_ =	strace $0x80000047;
	s29 =	simm.s32 $0x1  }
0x3: {  	s31 =	simm.s32 $0x2;
	s9 =	stileid.u32;
	s23 =	simm.s32 $0x0  }
0x4: {  	p0 =	por $0x0, $0x0;
	s21 =	simm.s32 $0x0;
	s22 =	simm.s32 $0x0  }
0x5: {  	s24 =	simm.s32 $0x0;
	s12 =	simm.s32 $0x0;
	s8 =	sand.u32 $0x1, s0  }
0x6: {  	s13 =	simm.s32 $0x0;
	s14 =	simm.s32 $0x0;
	s0 =	ssub.s32 $0x38, s8  }
0x7: {  	s15 =	simm.s32 $0x0;
	s16 =	simm.s32 $0x0;
	s2 =	sshrl.u32 s0, $0x1  }
.Ltmp0:
0x8: {  	s30 =	sadd.s32 $0xA00, s1;
	s0 =	ssub.s32 s0, s2;
	(pc) =	sbr.rel .LBB1_1-.Ltmp0, $4  }
0x9: {  	s17 =	simm.s32 $0x0;
	[dreg:$0x7] =	wrdreg s30;
	s10 =	smul.u32 $0x3, s0  }
0xa: {  	s19 =	stileid.u32;
	s20 =	simm.s32 $0x0;
	[dreg:$0x5] =	wrdreg s8  }
0xb: {  	[sflag:s29] =	ssyncpa.u1 $0x0;
	s11 =	sadd.s32 $0x1, s10;
	[dreg:$0x6] =	wrdreg s10  }
0xc: {  	[sflag:s31] =	ssyncpa.u1 $0x0;
	s18 =	smov.u32 s8;
	[dreg:$0x8] =	wrdreg s11  }
.LBB1_18:
0xd: {  	s14 =	rddreg [dreg:$0xb]  }
0xe: {  	s13 =	rddreg [dreg:$0xa]  }
0xf: {  	s3 =	rddreg [dreg:$0x1b]  }
0x10: {  	s12 =	rddreg [dreg:$0x9]  }
0x11: {  	s4 =	rddreg [dreg:$0x17]  }
0x12: {  	s5 =	rddreg [dreg:$0x18]  }
0x13: {  	s25 =	rddreg [dreg:$0x16]  }
0x14: {  	s15 =	rddreg [dreg:$0xc]  }
0x15: {  	s6 =	rddreg [dreg:$0x7]  }
0x16: {  	s8 =	rddreg [dreg:$0x5]  }
0x17: {  	s10 =	rddreg [dreg:$0x6]  }
0x18: {  	s11 =	rddreg [dreg:$0x8]  }
0x19: {  	s16 =	rddreg [dreg:$0xd]  }
0x1a: {  	s17 =	rddreg [dreg:$0xe]  }
0x1b: {  	s18 =	rddreg [dreg:$0xf]  }
0x1c: {  	s19 =	rddreg [dreg:$0x10]  }
0x1d: {  	s20 =	rddreg [dreg:$0x11]  }
0x1e: {  	s9 =	stileid.u32;
	s21 =	rddreg [dreg:$0x12]  }
0x1f: {  	s31 =	simm.s32 $0x1C00;
	s22 =	rddreg [dreg:$0x13];
	s3 =	smul.u32 $0x2080, s3  }
0x20: {  	s23 =	rddreg [dreg:$0x14];
	s0 =	sshll.u32 s14, $0x7;
	s26 =	smul.u32 $0x46000, s15  }
0x21: {  	s1 =	sshll.u32 s13, $0x3;
	p1 =	sgt.s32 s13, $0x40;
	s27 =	smul.u32 $0x380, s12  }
0x22: {  	s28 =	sshrl.u32 s13, $0x3;
	s2 =	sand.u32 $0xFFFFFC00, s0;
	s1 =	sand.u32 $0xFFFFFC00, s1  }
0x23: {  	s0 =	sand.u32 $0x380, s0;
	s1 =	sadd.s32 s2, s1;
	s2 =	smov.u32 s13  }
0x24: {  	s29 =	sand.u32 $0x7, s13;
	s2 =	simm.s32 @!p1 $0x40;
	s0 =	sor.u32 s0, s1  }
0x25: {  	p1 =	sgt.s32 s12, $0xC0;
	s1 =	smov.u32 s12;
	s2 =	sadd.s32 s4, s2  }
0x26: {  	s0 =	sshrl.u32 s0, $0x7;
	s1 =	simm.s32 @!p1 $0xC0;
	s4 =	sadd.s32 $0xFFFFFFC0, s2  }
0x27: {  	s1 =	sadd.s32 s5, s1;
	s2 =	ssub.s32 $0x80, s2;
	p1 =	sgt.s32 s4, $0x3F  }
0x28: {  	s24 =	smulhi.u32 $0x4924925, s0;
	s5 =	sadd.s32 $0xFFFFFF40, s1;
	s2 =	simm.s32 @p1 $0x0  }
0x29: {  	s1 =	ssub.s32 $0x140, s1;
	p1 =	sgt.s32 s5, $0x7F;
	s2 =	smul.u32 s2, s25  }
0x2a: {  	s3 =	sor.u32 $0x4000, s3;
	s4 =	smul.u32 $0x38, s24;
	s1 =	simm.s32 @p1 $0x0  }
0x2b: {  	s5 =	sand.u32 $0xF, s28;
	s1 =	smul.u32 s1, s2;
	s2 =	sadd.s32 s6, s26  }
0x2c: {  	s24 =	rddreg [dreg:$0x15];
	s0 =	ssub.s32 s0, s4;
	s2 =	sadd.s32 s27, s2  }
0x2d: {  	s4 =	sshll.u32 s29, $0x12;
	s0 =	sshll.u32 s0, $0x4;
	s2 =	sadd.s32 s5, s2  }
0x2e: {  	s30 =	sor.u32 $0x40, s4;
	s1 =	sand.u32 $0x3FFFFFFF, s1;
	s0 =	sadd.s32 s0, s2  }
0x2f: {  	[hbm4b:s0+s30] =	stream.strided.scatter [tilespmem:s3], [sflag:$0x2], s1, s31, s30, $0x18;
	[tilespmem:$0x8100] =	vst v63  }
.LBB1_19:
0x30: {  	p1 =	slt.u32 s20, $0x2;
	s0 =	smov.u32 s24  }
0x31: {  	s2 =	smov.u32 s23;
	p0 =	por !p0, !p0;
	p2 =	sgt.s32 @!p1 s24, $0xF  }
0x32: {  	s1 =	sshra.s32 @!p1 s24, $0x1F;
	s3 =	sshra.s32 @!p1 s23, $0x1F;
	s4 =	sshra.s32 @!p1 s21, $0x1F  }
0x33: {  	p2 =	por !p2, p1;
	s1 =	sand.u32 @!p1 s1, s24;
	s4 =	sand.u32 @!p1 s4, s21  }
0x34: {  	s24 =	smov.u32 s15;
	s0 =	simm.s32 @p2 $0xF;
	p2 =	sgt.s32 @!p1 s23, $0xC0  }
0x35: {  	s15 =	smov.u32 s19;
	s0 =	ssub.s32 @!p1 s0, s1;
	p2 =	por !p2, p1  }
0x36: {  	s1 =	sadd.s32 @!p1 $0xFFFFFFF1, s0;
	s2 =	simm.s32 @p2 $0xC0;
	s0 =	ssub.s32 @!p1 $0x10, s0  }
0x37: {  	p3 =	sgt.s32 @!p1 s1, $0x0;
	s1 =	sand.u32 @!p1 s3, s23;
	s3 =	sshra.s32 @!p1 s22, $0x1F  }
0x38: {  	p2 =	por !p3, p1;
	s1 =	ssub.s32 @!p1 s2, s1;
	p3 =	sgt.s32 @!p1 s22, $0x37  }
0x39: {  	s3 =	sand.u32 @!p1 s3, s22;
	s0 =	simm.s32 @!p2 $0x0;
	s2 =	sadd.s32 @!p1 $0xFFFFFF40, s1  }
0x3a: {  	p3 =	por !p3, p1;
	p2 =	sgt.s32 @!p1 s2, $0x7F;
	s2 =	smov.u32 s22  }
0x3b: {  	s1 =	ssub.s32 @!p1 $0x140, s1;
	s2 =	simm.s32 @p3 $0x37;
	p3 =	sgt.s32 @!p1 s21, $0x40  }
0x3c: {  	s2 =	ssub.s32 @!p1 s2, s3;
	p3 =	por !p3, p1;
	s3 =	smov.u32 s21  }
0x3d: {  	p2 =	por !p2, p1;
	s5 =	sadd.s32 @!p1 $0xFFFFFFC9, s2;
	s3 =	simm.s32 @p3 $0x40  }
0x3e: {  	s2 =	ssub.s32 @!p1 $0x38, s2;
	p3 =	sgt.s32 @!p1 s5, $0x0;
	s3 =	ssub.s32 @!p1 s3, s4  }
0x3f: {  	s5 =	smov.u32 s17;
	p3 =	por !p3, p1;
	s4 =	sadd.s32 @!p1 $0xFFFFFFC0, s3  }
0x40: {  	s3 =	ssub.s32 @!p1 $0x80, s3;
	s2 =	simm.s32 @!p3 $0x0;
	p3 =	sgt.s32 @!p1 s4, $0x3F  }
0x41: {  	p3 =	por !p3, p1;
	s0 =	smul.u32 @!p1 s0, s2;
	s2 =	sadd.s32 $0x80, s16  }
0x42: {  	s4 =	sadd.s32 $0x40, s17;
	s3 =	simm.s32 @!p3 $0x0;
	p3 =	sgt.s32 s2, $0x13F  }
0x43: {  	s1 =	simm.s32 @!p2 $0x0;
	s0 =	smul.u32 @!p1 s3, s0;
	s5 =	smov.u32 @p3 s4  }
0x44: {  	s3 =	sadd.s32 $0x2, s18;
	s4 =	smov.u32 s18;
	p2 =	sgt.s32 s5, $0x37  }
0x45: {  	s2 =	simm.s32 @p3 $0x0;
	s0 =	smul.u32 @!p1 s1, s0;
	s4 =	smov.u32 @p2 s3  }
0x46: {  	s1 =	sadd.s32 $0x10, s19;
	s3 =	smov.u32 s19;
	p3 =	sgt.s32 s4, $0x37  }
0x47: {  	s23 =	smov.u32 s12;
	s12 =	smov.u32 s16;
	s3 =	smov.u32 @p3 s1  }
0x48: {  	s22 =	smov.u32 s14;
	s5 =	simm.s32 @p2 $0x0;
	p2 =	sgt.s32 s3, $0xF  }
0x49: {  	s14 =	smov.u32 s18;
	s3 =	smov.u32 @p2 s9;
	p2 =	sne.s32 s20, s11  }
.Ltmp1:
0x4a: {  	s21 =	smov.u32 s13;
	s13 =	smov.u32 s17;
	(pc) =	sbr.rel @!p2 .LBB1_20-.Ltmp1, $4  }
0x4b: {  	s16 =	smov.u32 s2;
	s0 =	sand.u32 @!p1 $0x3FFFFFFF, s0;
	s1 =	simm.s32 @!p1 $0x2  }
0x4c: {  	s17 =	smov.u32 s5;
	s4 =	smov.u32 @p3 s8;
	_ =	swait.ge @!p1 [sflag:s1], s0  }
0x4d: {  	s0 =	ssub.s32 @!p1 $0x0, s0;
	s18 =	smov.u32 s4;
	[sflag:s1] =	ssyncset.done @!p1 $0x0  }
0x4e: {  	s20 =	sadd.s32 $0x1, s20;
	[sflag:s1] =	ssyncadd.s32 @!p1 s0;
	s19 =	smov.u32 s3  }
.LBB1_1:
0x4f: {  	p1 =	sge.u32 s20, s10  }
.Ltmp2:
0x50: {  	_ = 	snop;
	(pc) =	sbr.rel @p1 .LBB1_3-.Ltmp2, $1  }
0x51: {  	_ =	sdelay $0x3  }
0x52: {  	s0 =	sshrl.u32 s17, $0x3  }
0x53: {  	s1 =	sshll.u32 s16, $0x3;
	s0 =	smul.u32 $0xC00, s0  }
0x54: {  	s2 =	sshll.u32 s17, $0x7;
	s1 =	sand.u32 $0xFFFFFC00, s1  }
0x55: {  	s6 =	sand.u32 $0x380, s2;
	s0 =	sadd.s32 s0, s1  }
0x56: {  	s7 =	sand.u32 $0x7F, s16;
	p1 =	sgt.s32 s19, $0xF;
	s0 =	sor.u32 s6, s0  }
0x57: {  	s3 =	smov.u32 s19;
	s4 =	sshra.s32 s19, $0x1F;
	s1 =	sor.u32 s7, s0  }
0x58: {  	s5 =	sxor.u32 $0xFFFFFFFF, s20;
	s27 =	sshra.s32 s18, $0x1F;
	s2 =	smulhi.u32 $0xAAAAAAAB, s1  }
0x59: {  	s30 =	sshra.s32 s16, $0x1F;
	s3 =	simm.s32 @!p1 $0xF;
	s4 =	sand.u32 s4, s19  }
0x5a: {  	s25 =	sshll.u32 s5, $0xD;
	s3 =	ssub.s32 s3, s4;
	s2 =	sshrl.u32 s2, $0x8  }
0x5b: {  	s5 =	sand.u32 s27, s18;
	s26 =	sadd.s32 $0xFFFFFFF1, s3;
	s2 =	smul.u32 $0x180, s2  }
0x5c: {  	p1 =	sgt.s32 s26, $0x0;
	s6 =	sshra.s32 s17, $0x1F;
	s26 =	rddreg [dreg:$0x0]  }
0x5d: {  	s0 =	smulhi.u32 $0xAAAAAAAB, s0;
	s1 =	ssub.s32 s1, s2;
	s2 =	ssub.s32 $0x10, s3  }
0x5e: {  	s3 =	smov.u32 s18;
	s2 =	simm.s32 @p1 $0x0;
	p1 =	sgt.s32 s18, $0x37  }
0x5f: {  	s6 =	sand.u32 s6, s17;
	s0 =	sshrl.u32 s0, $0x8;
	s3 =	simm.s32 @!p1 $0x37  }
0x60: {  	p1 =	sgt.s32 s17, $0xFFFFFFF8;
	s3 =	ssub.s32 s3, s5;
	s5 =	smov.u32 s17  }
0x61: {  	s28 =	smulhi.u32 $0x4924925, s0;
	s7 =	sadd.s32 $0xFFFFFFC9, s3;
	s5 =	simm.s32 @!p1 $0xFFFFFFF8  }
0x62: {  	s3 =	ssub.s32 $0x38, s3;
	p1 =	sgt.s32 s7, $0x0;
	s5 =	ssub.s32 s5, s6  }
0x63: {  	s6 =	smul.u32 $0x38, s28;
	s3 =	simm.s32 @p1 $0x0;
	s29 =	sadd.s32 $0x8, s5  }
0x64: {  	s2 =	smul.u32 s2, s3;
	p1 =	sgt.s32 s29, $0x3F;
	s3 =	ssub.s32 $0x38, s5  }
0x65: {  	s5 =	smov.u32 s16;
	s3 =	simm.s32 @p1 $0x0;
	p1 =	sgt.s32 s16, $0x100  }
0x66: {  	s7 =	sand.u32 s30, s16;
	s28 =	sand.u32 $0x7, s1;
	s5 =	simm.s32 @!p1 $0x100  }
0x67: {  	s0 =	ssub.s32 s0, s6;
	s2 =	smul.u32 s3, s2;
	s31 =	ssub.s32 s5, s7  }
0x68: {  	s3 =	sand.u32 $0x2000, s25;
	s7 =	smul.u32 $0x24C00, s19;
	s5 =	sadd.s32 $0xFFFFFF00, s31  }
0x69: {  	s25 =	smul.u32 $0xA80, s18;
	s4 =	ssub.s32 $0x180, s31;
	p1 =	sgt.s32 s5, $0x7F  }
0x6a: {  	s0 =	smul.u32 $0x30, s0;
	s6 =	sadd.s32 s26, s7;
	s4 =	simm.s32 @p1 $0x0  }
0x6b: {  	s29 =	sshll.u32 s28, $0x12;
	s27 =	sadd.s32 s25, s6;
	s2 =	smul.u32 s4, s2  }
0x6c: {  	s1 =	sshrl.u32 s1, $0x3;
	s30 =	sor.u32 $0x400, s29;
	s0 =	sadd.s32 s0, s27  }
0x6d: {  	s31 =	simm.s32 $0xC00;
	s0 =	sadd.s32 s1, s0;
	s2 =	sand.u32 $0x3FFFFFFF, s2  }
0x6e: {  	[tilespmem:s3], [sflag:$0x1] =	stream.strided.gather [hbm4b:s0+s30], s2, s31, s30, $0x38;
	[tilespmem:$0x8100] =	vst v63  }
.LBB1_3:
0x6f: {  	s0 =	sadd.s32 $0xFFFFFFFF, s20  }
0x70: {  	p1 =	sge.u32 s0, s10  }
.Ltmp3:
0x71: {  	_ = 	snop;
	(pc) =	sbr.rel @p1 .LBB1_19-.Ltmp3, $1  }
0x72: {  	_ =	sdelay $0x3  }
0x73: {  	[dreg:$0x15] =	wrdreg s24  }
0x74: {  	[dreg:$0x14] =	wrdreg s23  }
0x75: {  	[dreg:$0x13] =	wrdreg s22  }
0x76: {  	[dreg:$0x12] =	wrdreg s21  }
0x77: {  	[dreg:$0x10] =	wrdreg s19  }
0x78: {  	[dreg:$0xf] =	wrdreg s18  }
0x79: {  	[dreg:$0xe] =	wrdreg s17;
	p1 =	sgt.s32 s15, $0xF;
	s0 =	smov.u32 s15  }
0x7a: {  	s1 =	sshra.s32 s15, $0x1F;
	s2 =	sshra.s32 s14, $0x1F;
	s22 =	ssub.s32 $0x0, s13  }
0x7b: {  	s23 =	sshra.s32 s13, $0x1F;
	p2 =	sgt.s32 s13, $0xFFFFFFF8;
	s4 =	smov.u32 s13  }
0x7c: {  	s26 =	ssub.s32 $0x0, s12;
	s27 =	sshra.s32 s12, $0x1F;
	s0 =	simm.s32 @!p1 $0xF  }
0x7d: {  	s1 =	sand.u32 s1, s15;
	p1 =	sgt.s32 s14, $0x37;
	s2 =	sand.u32 s2, s14  }
0x7e: {  	s4 =	simm.s32 @!p2 $0xFFFFFFF8;
	s0 =	ssub.s32 s0, s1;
	s1 =	smov.u32 s14  }
0x7f: {  	s3 =	sadd.s32 $0xFFFFFFF1, s0;
	s1 =	simm.s32 @!p1 $0x37;
	s0 =	ssub.s32 $0x10, s0  }
0x80: {  	p1 =	sgt.s32 s3, $0x0;
	s1 =	ssub.s32 s1, s2;
	s2 =	sand.u32 s22, s23  }
0x81: {  	s3 =	smov.u32 s12;
	s5 =	sadd.s32 $0xFFFFFFC9, s1;
	s1 =	ssub.s32 $0x38, s1  }
0x82: {  	[dreg:$0x17] =	wrdreg s2;
	s2 =	sadd.s32 s2, s4;
	s0 =	simm.s32 @p1 $0x0  }
0x83: {  	p2 =	sgt.s32 s5, $0x0;
	s24 =	sadd.s32 $0x8, s2;
	s2 =	ssub.s32 $0x38, s2  }
0x84: {  	s1 =	simm.s32 @p2 $0x0;
	p1 =	sgt.s32 s24, $0x3F;
	p2 =	sgt.s32 s12, $0x100  }
0x85: {  	s25 =	smul.u32 s0, s1;
	s0 =	sand.u32 s26, s27;
	s3 =	simm.s32 @!p2 $0x100  }
0x86: {  	s2 =	simm.s32 @p1 $0x0;
	[dreg:$0x18] =	wrdreg s0;
	s0 =	sadd.s32 s0, s3  }
0x87: {  	[dreg:$0xd] =	wrdreg s16;
	s28 =	smul.u32 s2, s25;
	s29 =	sadd.s32 $0xFFFFFF00, s0  }
0x88: {  	s0 =	ssub.s32 $0x180, s0;
	s2 =	sadd.s32 $0x1, s15;
	p1 =	sgt.s32 s29, $0x7F  }
0x89: {  	s3 =	sadd.s32 $0x1, s14;
	s0 =	simm.s32 @p1 $0x0;
	p1 =	slt.s32 s2, $0x10  }
0x8a: {  	[dreg:$0x9] =	wrdreg s12;
	s2 =	simm.s32 @!p1 $0x10;
	p1 =	slt.s32 s3, $0x38  }
0x8b: {  	s1 =	sadd.s32 $0x40, s13;
	s2 =	ssub.s32 s2, s15;
	s3 =	simm.s32 @!p1 $0x38  }
0x8c: {  	p2 =	slt.s32 s1, $0x38;
	s3 =	ssub.s32 s3, s14;
	p1 =	slt.s32 s2, $0x1  }
0x8d: {  	[dreg:$0xc] =	wrdreg s15;
	s1 =	simm.s32 @!p2 $0x38;
	p2 =	slt.s32 @!p1 s3, $0x1  }
0x8e: {  	[dreg:$0xb] =	wrdreg s14;
	s6 =	ssub.s32 s1, s13;
	p2 =	por p1, p2  }
0x8f: {  	[dreg:$0xa] =	wrdreg s13;
	p3 =	slt.s32 @!p2 s6, $0x1  }
0x90: {  	[dreg:$0x16] =	wrdreg s25;
	s0 =	smul.u32 s0, s28;
	p2 =	por p2, p3  }
.Ltmp4:
0x91: {  	[dreg:$0x19] =	wrdreg s2;
	(pc) =	sbr.rel @p2 .LBB1_18-.Ltmp4, $4  }
0x92: {  	s30 =	simm.s32 $0x1;
	s0 =	sand.u32 $0x3FFFFFFF, s0;
	[dreg:$0x1a] =	wrdreg s3  }
0x93: {  	s31 =	sand.u32 $0x1, s20;
	_ =	swait.ge [sflag:s30], s0  }
0x94: {  	s0 =	ssub.s32 $0x0, s0;
	[dreg:$0x11] =	wrdreg s20;
	[sflag:s30] =	ssyncset.done $0x0  }
0x95: {  	[dreg:$0x1b] =	wrdreg s31;
	[sflag:s30] =	ssyncadd.s32 s0  }
0x96: {  	s0 =	simm.s32 $0x1  }
0x97: {  	s0 =	simm.s32 @!p0 $0x0  }
0x98: {  	s0 =	smul.u32 $0x8200, s0  }
0x99: {  	s3 =	rddreg [dreg:$0x9]  }
0x9a: {  	s31 =	simm.s32 $0x0;
	[dreg:$0x1c] =	wrdreg s6;
	s1 =	sshrl.u32 s0, $0x2  }
0x9b: {  	[smem:$0x7FC] =	sst s31;
	s4 =	sadd.s32 $0x7CF0, s1  }
0x9c: {  	s15 =	sadd.s32 $0x78E0, s1;
	[dreg:$0x1d] =	wrdreg s4  }
0x9d: {  	s16 =	sadd.s32 $0x74D0, s1;
	[dreg:$0x1e] =	wrdreg s15  }
0x9e: {  	s17 =	sadd.s32 $0x70C0, s1;
	[dreg:$0x1f] =	wrdreg s16  }
0x9f: {  	s18 =	sadd.s32 $0x6CB0, s1;
	[smem:$0x7EC] =	sst s17  }
0xa0: {  	s19 =	sadd.s32 $0x68A0, s1;
	[smem:$0x7ED] =	sst s18  }
0xa1: {  	s20 =	sadd.s32 $0x6490, s1;
	[smem:$0x7EE] =	sst s19  }
0xa2: {  	s21 =	sadd.s32 $0x6080, s1;
	[smem:$0x7EF] =	sst s20  }
0xa3: {  	s22 =	sadd.s32 $0x5C70, s1;
	[smem:$0x7F0] =	sst s21  }
0xa4: {  	s24 =	sadd.s32 $0x5860, s1;
	[smem:$0x7F1] =	sst s22  }
0xa5: {  	s25 =	sadd.s32 $0x5450, s1;
	[smem:$0x7F2] =	sst s24  }
0xa6: {  	s2 =	sadd.s32 $0x80, s3;
	s5 =	sadd.s32 $0x5040, s1;
	[smem:$0x7F3] =	sst s25  }
0xa7: {  	p2 =	slt.s32 s2, $0x140;
	s27 =	sadd.s32 $0x4C30, s1;
	[smem:$0x7F4] =	sst s5  }
0xa8: {  	s2 =	simm.s32 @!p2 $0x140;
	s28 =	sadd.s32 $0x4820, s1;
	[smem:$0x7F5] =	sst s27  }
0xa9: {  	s2 =	ssub.s32 s2, s3;
	s29 =	sadd.s32 $0x4410, s1;
	[smem:$0x7F6] =	sst s28  }
0xaa: {  	s2 =	sadd.s32 $0xF, s2;
	s1 =	sor.u32 $0x4000, s1;
	[smem:$0x7F7] =	sst s29  }
0xab: {  	s23 =	sshrl.u32 s2, $0x8;
	[smem:$0x7F8] =	sst s1  }
0xac: {  	s7 =	sand.u32 $0xFFFFFFF0, s2;
	s1 =	rddreg [dreg:$0x1b];
	s26 =	smul.u32 $0x10400, s23  }
.Ltmp5:
0xad: {  	s8 =	sand.u32 @!p1 $0xFFFFFF00, s2;
	[smem:$0x7FD] =	sst s7;
	(pc) =	sbr.rel .LBB1_6-.Ltmp5, $4  }
0xae: {  	s1 =	sshll.u32 @!p1 s1, $0xD;
	[dreg:$0x4] =	wrdreg s8;
	s0 =	sadd.s32 s0, s26  }
0xaf: {  	s30 =	sshll.u32 s23, $0xB;
	[smem:$0x7F9] =	sst s1;
	s0 =	sshra.s32 s0, $0x2  }
0xb0: {  	[smem:$0x7FB] =	sst s30;
	s0 =	sadd.s32 $0x4000, s0  }
0xb1: {  	p1 =	slt.s32 s2, $0x100;
	p2 =	sge.s32 s8, s7;
	[smem:$0x7FA] =	sst s0  }
.LBB1_17:
0xb2: {  	s1 =	sld [smem:$0x7FC]  }
0xb3: {  	s0 =	rddreg [dreg:$0x1d]  }
0xb4: {  	s15 =	rddreg [dreg:$0x1e]  }
0xb5: {  	s16 =	rddreg [dreg:$0x1f]  }
0xb6: {  	s17 =	sld [smem:$0x7EC]  }
0xb7: {  	s18 =	sld [smem:$0x7ED]  }
0xb8: {  	s19 =	sld [smem:$0x7EE]  }
0xb9: {  	s20 =	sld [smem:$0x7EF]  }
0xba: {  	s21 =	sld [smem:$0x7F0]  }
0xbb: {  	s22 =	sld [smem:$0x7F1]  }
0xbc: {  	s23 =	sld [smem:$0x7F2]  }
0xbd: {  	s24 =	sld [smem:$0x7F3]  }
0xbe: {  	s25 =	sld [smem:$0x7F4]  }
0xbf: {  	s26 =	sld [smem:$0x7F5]  }
0xc0: {  	s27 =	sld [smem:$0x7F6]  }
0xc1: {  	s28 =	rddreg [dreg:$0x19]  }
0xc2: {  	s29 =	sld [smem:$0x7F7]  }
0xc3: {  	s30 =	sld [smem:$0x7F8]  }
0xc4: {  	s31 =	sld [smem:$0x7FA];
	s0 =	sadd.s32 $0x2080, s0  }
0xc5: {  	[dreg:$0x1d] =	wrdreg s0;
	s0 =	sadd.s32 $0x2080, s15  }
0xc6: {  	[dreg:$0x1e] =	wrdreg s0;
	s0 =	sadd.s32 $0x2080, s16  }
0xc7: {  	s1 =	sadd.s32 $0x1, s1;
	[dreg:$0x1f] =	wrdreg s0  }
0xc8: {  	s0 =	sadd.s32 $0x2080, s17;
	[smem:$0x7FC] =	sst s1  }
0xc9: {  	[smem:$0x7EC] =	sst s0;
	s0 =	sadd.s32 $0x2080, s18  }
0xca: {  	[smem:$0x7ED] =	sst s0;
	s0 =	sadd.s32 $0x2080, s19  }
0xcb: {  	[smem:$0x7EE] =	sst s0;
	s0 =	sadd.s32 $0x2080, s20  }
0xcc: {  	[smem:$0x7EF] =	sst s0;
	s0 =	sadd.s32 $0x2080, s21  }
0xcd: {  	[smem:$0x7F0] =	sst s0;
	s0 =	sadd.s32 $0x2080, s22  }
0xce: {  	[smem:$0x7F1] =	sst s0;
	s0 =	sadd.s32 $0x2080, s23  }
0xcf: {  	[smem:$0x7F2] =	sst s0;
	s0 =	sadd.s32 $0x2080, s24  }
0xd0: {  	[smem:$0x7F3] =	sst s0;
	s0 =	sadd.s32 $0x2080, s25  }
0xd1: {  	p3 =	sne.s32 s1, s28;
	[smem:$0x7F4] =	sst s0;
	s0 =	sadd.s32 $0x2080, s26  }
.Ltmp6:
0xd2: {  	[smem:$0x7F5] =	sst s0;
	s0 =	sadd.s32 $0x2080, s27;
	(pc) =	sbr.rel @!p3 .LBB1_18-.Ltmp6, $4  }
0xd3: {  	[smem:$0x7F6] =	sst s0;
	s0 =	sadd.s32 $0x2080, s29  }
0xd4: {  	[smem:$0x7F7] =	sst s0;
	s0 =	sadd.s32 $0x2080, s30  }
0xd5: {  	[smem:$0x7F8] =	sst s0;
	s0 =	sadd.s32 $0x2080, s31  }
0xd6: {  	[smem:$0x7FA] =	sst s0  }
.LBB1_6:
.Ltmp7:
0xd7: {  	(pc) =	sbr.rel .LBB1_7-.Ltmp7, $2  }
0xd8: {  	_ =	sdelay $0x2  }
0xd9: {  	s0 =	simm.s32 $0x0;
	s2 =	simm.s32 $0x0  }
.LBB1_16:
0xda: {  	s2 =	sld [smem:$0x7E4];
	_ =	sdelay $0x2  }
0xdb: {  	s0 =	rddreg [dreg:$0x1a];
	s2 =	sadd.s32 $0x1, s2  }
0xdc: {  	p3 =	sne.s32 s2, s0  }
.Ltmp8:
0xdd: {  	_ = 	snop;
	(pc) =	sbr.rel @!p3 .LBB1_17-.Ltmp8, $2  }
0xde: {  	s31 =	sld [smem:$0x7D8];
	_ =	sdelay $0x2  }
0xdf: {  	s0 =	sadd.s32 $0x1, s31  }
.LBB1_7:
0xe0: {  	[smem:$0x7D8] =	sst s0  }
0xe1: {  	s1 =	rddreg [dreg:$0x1d]  }
0xe2: {  	s14 =	rddreg [dreg:$0x1e]  }
0xe3: {  	s15 =	rddreg [dreg:$0x1f]  }
0xe4: {  	s16 =	sld [smem:$0x7EC]  }
0xe5: {  	s17 =	sld [smem:$0x7ED]  }
0xe6: {  	s18 =	sld [smem:$0x7EE]  }
0xe7: {  	s19 =	sld [smem:$0x7EF]  }
0xe8: {  	s20 =	sld [smem:$0x7F0]  }
0xe9: {  	s21 =	sld [smem:$0x7F1]  }
0xea: {  	s22 =	sld [smem:$0x7F2]  }
0xeb: {  	s23 =	sld [smem:$0x7F3]  }
0xec: {  	s24 =	sld [smem:$0x7FC]  }
0xed: {  	[smem:$0x7E4] =	sst s2  }
0xee: {  	s25 =	sld [smem:$0x7F4]  }
0xef: {  	s26 =	sld [smem:$0x7F5]  }
0xf0: {  	s13 =	sand.u32 $0x7, s0;
	s27 =	sld [smem:$0x7F6]  }
0xf1: {  	s28 =	sld [smem:$0x7F7];
	s0 =	smul.u32 $0x104, s13  }
0xf2: {  	s29 =	sld [smem:$0x7F8]  }
0xf3: {  	s30 =	sld [smem:$0x7F9];
	s0 =	sshrl.u32 s0, $0x2  }
0xf4: {  	s31 =	sld [smem:$0x7FA];
	s1 =	sadd.s32 s0, s1  }
0xf5: {  	[smem:$0x7D9] =	sst s1;
	s1 =	sadd.s32 s0, s14  }
0xf6: {  	[smem:$0x7DA] =	sst s1;
	s1 =	sadd.s32 s0, s15  }
0xf7: {  	[smem:$0x7DB] =	sst s1;
	s1 =	sadd.s32 s0, s16  }
0xf8: {  	[smem:$0x7DC] =	sst s1;
	s1 =	sadd.s32 s0, s17  }
0xf9: {  	[smem:$0x7DD] =	sst s1;
	s1 =	sadd.s32 s0, s18  }
0xfa: {  	[smem:$0x7DE] =	sst s1;
	s1 =	sadd.s32 s0, s19  }
0xfb: {  	[smem:$0x7DF] =	sst s1;
	s1 =	sadd.s32 s0, s20  }
0xfc: {  	[smem:$0x7E0] =	sst s1;
	s1 =	sadd.s32 s0, s21  }
0xfd: {  	[smem:$0x7E1] =	sst s1;
	s1 =	sadd.s32 s0, s22  }
0xfe: {  	[smem:$0x7E2] =	sst s1;
	s1 =	sadd.s32 s0, s23  }
0xff: {  	[smem:$0x7E3] =	sst s1;
	s1 =	sadd.s32 s24, s2;
	s2 =	sadd.s32 s0, s25  }
0x100: {  	[smem:$0x7E5] =	sst s2;
	s2 =	sadd.s32 s0, s26;
	s1 =	sshll.u32 s1, $0xF  }
0x101: {  	[smem:$0x7E6] =	sst s2;
	s2 =	sadd.s32 s0, s27;
	s1 =	sshra.s32 s1, $0x2  }
.Ltmp9:
0x102: {  	[smem:$0x7E7] =	sst s2;
	s2 =	sadd.s32 s0, s28;
	(pc) =	sbr.rel .LBB1_8-.Ltmp9, $4  }
0x103: {  	s9 =	sadd.s32 s1, s30;
	[smem:$0x7E8] =	sst s2  }
0x104: {  	s2 =	sadd.s32 s0, s29;
	[smem:$0x7EB] =	sst s9  }
0x105: {  	s10 =	simm.s32 $0x0;
	s0 =	sadd.s32 s0, s31;
	[smem:$0x7E9] =	sst s2  }
0x106: {  	s11 =	simm.s32 $0x0;
	s12 =	simm.s32 $0x0;
	[smem:$0x7EA] =	sst s0  }
.LBB1_15:
0x107: {  	s12 =	sadd.s32 $0x1, s12  }
0x108: {  	p3 =	sne.s32 s12, s6  }
.Ltmp10:
0x109: {  	_ = 	snop;
	(pc) =	sbr.rel @!p3 .LBB1_16-.Ltmp10, $2  }
0x10a: {  	_ =	sdelay $0x2  }
0x10b: {  	s11 =	sadd.s32 $0x80, s11;
	s10 =	sadd.s32 $0x1, s10  }
.LBB1_8:
.Ltmp11:
0x10c: {  	(pc) =	sbr.rel @p1 .LBB1_12-.Ltmp11, $2  }
0x10d: {  	_ =	sdelay $0x2  }
0x10e: {  	s2 =	sand.u32 $0x7F, s10;
	s24 =	sshll.u32 s12, $0x7  }
0x10f: {  	s0 =	sand.u32 $0x380, s24  }
0x110: {  	s15 =	sadd.s32 s0, s9  }
0x111: {  	v0 =	vmov s15  }
0x112: {  	s19 =	simm.s32 $0x700  }
0x113: {  	[smem:$0x7D7] =	sst s2;
	s1 =	sshll.u32 s2, $0x2;
	s2 =	sand.u32 $0x1C00, s19  }
0x114: {  	[smem:$0x7D5] =	sst s12;
	s2 =	sadd.s32 s24, s2  }
0x115: {  	[smem:$0x7D6] =	sst s10;
	s2 =	sand.u32 $0x1C00, s2  }
0x116: {  	v1 =	vld.idx.msk [tilespmem:v0+s2+$0x60 ss:$0x1], $0xffff  }
0x117: {  	s18 =	simm.s32 $0x480;
	s17 =	sld [smem:$0x7DA]  }
0x118: {  	s25 =	sshrl.u32 s1, $0x2;
	s1 =	sand.u32 $0x1C00, s18  }
0x119: {  	s6 =	simm.s32 $0x600;
	s1 =	sadd.s32 s24, s1  }
0x11a: {  	s21 =	sand.u32 $0x1C00, s6;
	s1 =	sand.u32 $0x1C00, s1;
	s6 =	sadd.s32 s25, s17  }
0x11b: {  	v2 =	vld.idx.msk [tilespmem:v0+s1+$0x10 ss:$0x1], $0xffff;
	[tilespmem:s6+$0x0 ss:$0x41] =	vst.msk $0xffff, v1  }
0x11c: {  	s3 =	simm.s32 $0x500;
	s27 =	sld [smem:$0x7DF]  }
0x11d: {  	s4 =	simm.s32 $0x580;
	s3 =	sand.u32 $0x1C00, s3  }
0x11e: {  	s7 =	simm.s32 $0x680;
	s4 =	sand.u32 $0x1C00, s4;
	s20 =	sadd.s32 s24, s3  }
0x11f: {  	s4 =	sadd.s32 s24, s4;
	s2 =	sand.u32 $0x1C00, s20;
	s15 =	sadd.s32 s25, s27  }
0x120: {  	s23 =	sadd.s32 $0x780, s11;
	s3 =	sadd.s32 s24, s21;
	s4 =	sand.u32 $0x1C00, s4;
	v3 =	vld.idx.msk [tilespmem:v0+s2+$0x20 ss:$0x1], $0xffff;
	[tilespmem:s15+$0x0 ss:$0x41] =	vst.msk $0xffff, v2  }
0x121: {  	s5 =	sadd.s32 $0xFFFFF880, s23;
	s3 =	sand.u32 $0x1C00, s3;
	v4 =	vld.idx.msk [tilespmem:v0+s4+$0x30 ss:$0x1], $0xffff;
	s26 =	sld [smem:$0x7DE]  }
0x122: {  	s22 =	sand.u32 $0x1C00, s7;
	s7 =	sand.u32 $0x1C00, s5;
	v5 =	vld.idx.msk [tilespmem:v0+s3+$0x40 ss:$0x1], $0xffff  }
0x123: {  	s16 =	simm.s32 $0x780;
	s1 =	sadd.s32 s24, s22;
	v7 =	vld.idx.msk [tilespmem:v0+s7+$0x0 ss:$0x1], $0xffff  }
0x124: {  	s0 =	sand.u32 $0x1C00, s16;
	v8 =	vld.idx.msk [tilespmem:v0+s7+$0x10 ss:$0x1], $0xffff;
	s1 =	sand.u32 $0x1C00, s1;
	s16 =	sadd.s32 s25, s26  }
0x125: {  	v6 =	vld.idx.msk [tilespmem:v0+s1+$0x50 ss:$0x1], $0xffff;
	[tilespmem:s16+$0x0 ss:$0x41] =	vst.msk $0xffff, v3  }
0x126: {  	v1 =	vld.idx.msk [tilespmem:v0+s7+$0x20 ss:$0x1], $0xffff;
	[dreg:$0x3] =	wrdreg s11  }
0x127: {  	s11 =	sld [smem:$0x7DD];
	_ =	sdelay $0x2  }
0x128: {  	s18 =	sadd.s32 s25, s11  }
0x129: {  	[tilespmem:s18+$0x0 ss:$0x41] =	vst.msk $0xffff, v4  }
0x12a: {  	s18 =	sld [smem:$0x7DC];
	_ =	sdelay $0x2  }
0x12b: {  	s1 =	sld [smem:$0x7E9];
	s19 =	sadd.s32 s25, s18  }
0x12c: {  	s20 =	sld [smem:$0x7E8];
	[tilespmem:s19+$0x0 ss:$0x41] =	vst.msk $0xffff, v5  }
0x12d: {  	s15 =	sld [smem:$0x7DB]  }
0x12e: {  	s9 =	sld [smem:$0x7E7]  }
0x12f: {  	p3 =	sgt.s32 s8, $0x100;
	s1 =	sadd.s32 s25, s1;
	s8 =	sld [smem:$0x7E6]  }
0x130: {  	s3 =	sld [smem:$0x7E5];
	[tilespmem:s1+$0x0 ss:$0x41] =	vst.msk $0xffff, v7;
	s22 =	sadd.s32 s25, s15  }
0x131: {  	s0 =	sadd.s32 s24, s0;
	[tilespmem:s22+$0x0 ss:$0x41] =	vst.msk $0xffff, v6  }
0x132: {  	s14 =	sand.u32 $0x1C00, s0;
	s0 =	sld [smem:$0x7E3]  }
0x133: {  	s2 =	sadd.s32 $0xFFFFFC80, s23;
	s21 =	sadd.s32 s25, s20;
	s31 =	sld [smem:$0x7E2]  }
0x134: {  	s12 =	simm.s32 $0x100;
	s13 =	sand.u32 $0x1C00, s2;
	s30 =	sld [smem:$0x7E1];
	[tilespmem:s21+$0x0 ss:$0x41] =	vst.msk $0xffff, v8  }
.Ltmp12:
0x135: {  	v2 =	vld.idx.msk [tilespmem:v0+s7+$0x30 ss:$0x1], $0xffff;
	s19 =	sadd.s32 s25, s9;
	s21 =	sld [smem:$0x7E0];
	(pc) =	sbr.rel @!p3 .LBB1_11-.Ltmp12, $4  }
0x136: {  	v3 =	vld.idx.msk [tilespmem:v0+s7+$0x40 ss:$0x1], $0xffff;
	s23 =	sadd.s32 s25, s8;
	s10 =	sadd.s32 s25, s3;
	s16 =	sld [smem:$0x7D9]  }
0x137: {  	v4 =	vld.idx.msk [tilespmem:v0+s7+$0x50 ss:$0x1], $0xffff;
	s2 =	smov.u32 s3;
	s3 =	smov.u32 s20;
	s22 =	simm.s32 $0xF80  }
0x138: {  	v5 =	vld.idx.msk [tilespmem:v0+s7+$0x60 ss:$0x1], $0xffff;
	s6 =	sld [smem:$0x7E9];
	s1 =	sadd.s32 s25, s0;
	s28 =	sadd.s32 s25, s31  }
0x139: {  	v6 =	vld.idx.msk [tilespmem:v0+s7+$0x70 ss:$0x1], $0xffff;
	s4 =	sadd.s32 s25, s30;
	s29 =	sadd.s32 s25, s21;
	s7 =	sadd.s32 s25, s16  }
.LBB1_10:
0x13a: {  	s20 =	sadd.s32 $0xFFFFFD00, s22  }
0x13b: {  	s5 =	sadd.s32 $0xFFFFFF80, s22;
	s12 =	sadd.s32 $0x100, s12;
	s17 =	sadd.s32 $0x4100, s17  }
0x13c: {  	s16 =	sadd.s32 $0x4100, s16;
	s15 =	sadd.s32 $0x4100, s15;
	s18 =	sadd.s32 $0x4100, s18  }
0x13d: {  	s11 =	sadd.s32 $0x4100, s11;
	s26 =	sadd.s32 $0x4100, s26;
	s5 =	sand.u32 $0x1C00, s5  }
0x13e: {  	s27 =	sadd.s32 $0x4100, s27;
	s21 =	sadd.s32 $0x4100, s21;
	s5 =	sadd.s32 s24, s5;
	[tilespmem:s19+$0x0 ss:$0x41] =	vst.msk $0xffff, v1  }
0x13f: {  	s30 =	sadd.s32 $0x4100, s30;
	s5 =	sand.u32 $0x1C00, s5;
	v1 =	vld.idx.msk [tilespmem:v0+s13+$0x0 ss:$0x1], $0xffff;
	s13 =	sadd.s32 $0xFFFFFD80, s22;
	[tilespmem:s23+$0x0 ss:$0x41] =	vst.msk $0xffff, v2  }
0x140: {  	s19 =	rddreg [dreg:$0x4];
	s23 =	sadd.s32 $0xFFFFFE80, s22;
	[tilespmem:s10+$0x0 ss:$0x41] =	vst.msk $0xffff, v3;
	s10 =	sand.u32 $0x1C00, s20  }
0x141: {  	v2 =	vld.idx.msk [tilespmem:v0+s14+$0x70 ss:$0x1], $0xffff;
	s20 =	sadd.s32 $0xFFFFFF00, s22;
	p3 =	slt.s32 s12, s19;
	s19 =	sadd.s32 $0xFFFFFE00, s22  }
0x142: {  	[tilespmem:s1+$0x0 ss:$0x41] =	vst.msk $0xffff, v4;
	s1 =	sand.u32 $0x1C00, s13;
	s14 =	sand.u32 $0x1C00, s23;
	s23 =	rddreg [dreg:$0x3]  }
0x143: {  	v3 =	vld.idx.msk [tilespmem:v0+s5+$0x60 ss:$0x1], $0xffff;
	s10 =	sadd.s32 s24, s10;
	s13 =	sand.u32 $0x1C00, s19;
	s5 =	sadd.s32 s22, s23  }
0x144: {  	[tilespmem:s4+$0x0 ss:$0x41] =	vst.msk $0xffff, v6;
	s19 =	sand.u32 $0x1C00, s20;
	s1 =	sadd.s32 s24, s1;
	s4 =	sand.u32 $0x1C00, s10  }
0x145: {  	s14 =	sadd.s32 s24, s14;
	s23 =	sadd.s32 s24, s13;
	s1 =	sand.u32 $0x1C00, s1;
	[tilespmem:s29+$0x0 ss:$0x41] =	vst.msk $0xffff, v1;
	v1 =	vld.idx.msk [tilespmem:v0+s4+$0x10 ss:$0x1], $0xffff  }
0x146: {  	s19 =	sadd.s32 s24, s19;
	s10 =	sand.u32 $0x1C00, s23;
	s23 =	sand.u32 $0x1C00, s14;
	[tilespmem:s7+$0x0 ss:$0x41] =	vst.msk $0xffff, v2;
	v2 =	vld.idx.msk [tilespmem:v0+s1+$0x20 ss:$0x1], $0xffff  }
0x147: {  	s31 =	sadd.s32 $0x4100, s31;
	s20 =	sand.u32 $0x1C00, s22;
	s19 =	sand.u32 $0x1C00, s19;
	v4 =	vld.idx.msk [tilespmem:v0+s23+$0x40 ss:$0x1], $0xffff  }
0x148: {  	[tilespmem:s28+$0x0 ss:$0x41] =	vst.msk $0xffff, v5;
	s13 =	sadd.s32 $0xFFFFF880, s5;
	s7 =	sadd.s32 s24, s20;
	s20 =	sadd.s32 s25, s17;
	v5 =	vld.idx.msk [tilespmem:v0+s19+$0x50 ss:$0x1], $0xffff  }
0x149: {  	s0 =	sadd.s32 $0x4100, s0;
	s2 =	sadd.s32 $0x4100, s2;
	[tilespmem:s20+$0x0 ss:$0x41] =	vst.msk $0xffff, v3;
	s20 =	sand.u32 $0x1C00, s13;
	v3 =	vld.idx.msk [tilespmem:v0+s10+$0x30 ss:$0x1], $0xffff  }
0x14a: {  	s8 =	sadd.s32 $0x4100, s8;
	s14 =	sand.u32 $0x1C00, s7;
	s7 =	sadd.s32 s25, s27;
	v6 =	vld.idx.msk [tilespmem:v0+s20+$0x0 ss:$0x1], $0xffff  }
0x14b: {  	s9 =	sadd.s32 $0x4100, s9;
	s3 =	sadd.s32 $0x4100, s3;
	s10 =	sadd.s32 s25, s26;
	v7 =	vld.idx.msk [tilespmem:v0+s20+$0x10 ss:$0x1], $0xffff;
	[tilespmem:s7+$0x0 ss:$0x41] =	vst.msk $0xffff, v1  }
0x14c: {  	s6 =	sadd.s32 $0x4100, s6;
	s28 =	sadd.s32 s25, s31;
	s23 =	sadd.s32 s25, s18;
	v1 =	vld.idx.msk [tilespmem:v0+s20+$0x20 ss:$0x1], $0xffff;
	[tilespmem:s10+$0x0 ss:$0x41] =	vst.msk $0xffff, v2  }
.Ltmp13:
0x14d: {  	s22 =	sadd.s32 $0x800, s22;
	s19 =	sadd.s32 s25, s11;
	v2 =	vld.idx.msk [tilespmem:v0+s20+$0x30 ss:$0x1], $0xffff;
	[tilespmem:s23+$0x0 ss:$0x41] =	vst.msk $0xffff, v4;
	(pc) =	sbr.rel @p3 .LBB1_10-.Ltmp13, $4  }
0x14e: {  	s5 =	sadd.s32 $0xFFFFFC80, s5;
	s4 =	sadd.s32 s25, s6;
	s7 =	sadd.s32 s25, s15;
	v4 =	vld.idx.msk [tilespmem:v0+s20+$0x50 ss:$0x1], $0xffff;
	[tilespmem:s19+$0x0 ss:$0x41] =	vst.msk $0xffff, v3  }
0x14f: {  	s1 =	sadd.s32 s25, s0;
	s29 =	sadd.s32 s25, s21;
	s13 =	sand.u32 $0x1C00, s5;
	v3 =	vld.idx.msk [tilespmem:v0+s20+$0x40 ss:$0x1], $0xffff;
	[tilespmem:s7+$0x0 ss:$0x41] =	vst.msk $0xffff, v5  }
0x150: {  	s5 =	sadd.s32 s25, s3;
	s23 =	sadd.s32 s25, s8;
	s10 =	sadd.s32 s25, s2;
	v5 =	vld.idx.msk [tilespmem:v0+s20+$0x60 ss:$0x1], $0xffff;
	[tilespmem:s4+$0x0 ss:$0x41] =	vst.msk $0xffff, v6  }
0x151: {  	s19 =	sadd.s32 s25, s9;
	s7 =	sadd.s32 s25, s16;
	s4 =	sadd.s32 s25, s30;
	[tilespmem:s5+$0x0 ss:$0x41] =	vst.msk $0xffff, v7;
	v6 =	vld.idx.msk [tilespmem:v0+s20+$0x70 ss:$0x1], $0xffff  }
.LBB1_11:
0x152: {  	_ =	sdelay $0x2  }
0x153: {  	[tilespmem:s19+$0x0 ss:$0x41] =	vst.msk $0xffff, v1  }
0x154: {  	v62 =	vld.idx.msk [tilespmem:v0+s13+$0x0 ss:$0x1], $0xffff;
	[tilespmem:s23+$0x0 ss:$0x41] =	vst.msk $0xffff, v2  }
0x155: {  	v63 =	vld.idx.msk [tilespmem:v0+s14+$0x70 ss:$0x1], $0xffff;
	[tilespmem:s10+$0x0 ss:$0x41] =	vst.msk $0xffff, v3  }
0x156: {  	[tilespmem:s1+$0x0 ss:$0x41] =	vst.msk $0xffff, v4  }
0x157: {  	[tilespmem:s28+$0x0 ss:$0x41] =	vst.msk $0xffff, v5  }
0x158: {  	[tilespmem:s4+$0x0 ss:$0x41] =	vst.msk $0xffff, v6  }
0x159: {  	[tilespmem:s29+$0x0 ss:$0x41] =	vst.msk $0xffff, v62  }
0x15a: {  	[tilespmem:s7+$0x0 ss:$0x41] =	vst.msk $0xffff, v63  }
0x15b: {  	s6 =	rddreg [dreg:$0x1c]  }
0x15c: {  	s7 =	sld [smem:$0x7FD]  }
0x15d: {  	s8 =	rddreg [dreg:$0x4]  }
0x15e: {  	s9 =	sld [smem:$0x7EB]  }
0x15f: {  	s10 =	sld [smem:$0x7D6]  }
0x160: {  	s11 =	rddreg [dreg:$0x3]  }
0x161: {  	s12 =	sld [smem:$0x7D5]  }
0x162: {  	s2 =	sld [smem:$0x7D7]  }
.LBB1_12:
.Ltmp14:
0x163: {  	(pc) =	sbr.rel @p2 .LBB1_15-.Ltmp14, $1  }
0x164: {  	_ =	sdelay $0x3  }
0x165: {  	s0 =	sld [smem:$0x7EA];
	_ =	sdelay $0x2  }
0x166: {  	s0 =	sadd.s32 s2, s0;
	s2 =	sld [smem:$0x7FB]  }
0x167: {  	s1 =	sand.u32 $0x380, s24  }
0x168: {  	s3 =	smov.u32 s8;
	s1 =	sadd.s32 s1, s9  }
.LBB1_14:
0x169: {  	s4 =	sand.u32 $0x1C00, s2  }
0x16a: {  	s4 =	sadd.s32 s24, s4  }
0x16b: {  	s4 =	sand.u32 $0x1C00, s4  }
0x16c: {  	s5 =	sand.u32 $0x70, s3;
	s4 =	sadd.s32 s4, s1  }
0x16d: {  	s3 =	sadd.s32 $0x10, s3;
	s4 =	sadd.s32 s5, s4  }
0x16e: {  	p3 =	slt.s32 s3, s7;
	v0 =	vld [tilespmem:s4+$0x0]  }
.Ltmp15:
0x16f: {  	_ = 	snop;
	(pc) =	sbr.rel @p3 .LBB1_14-.Ltmp15, $2  }
0x170: {  	_ =	sdelay $0x2  }
0x171: {  	s2 =	sadd.s32 $0x80, s2;
	[tilespmem:s0+$0x0 ss:$0x41] =	vst.msk $0xffff, v0;
	s0 =	sadd.s32 $0x410, s0  }
.Ltmp16:
0x172: {  	_ = 	snop;
	(pc) =	sbr.rel .LBB1_15-.Ltmp16, $1  }
0x173: {  	_ =	sdelay $0x3  }
.LBB1_20:
0x174: {  	_ =	sfence.sel $0x180000  }
0x175: {  	s0 =	simm.s32 $0x1;
	[bflag:$0x0] =	sbarrier.arrive $0xFFFF  }
0x176: {  	s31 =	simm.s32 $0x2;
	[sflag:s0] =	ssyncpa.u1 $0x1  }
0x177: {  	[sflag:s31] =	ssyncpa.u1 $0x1  }
0x178: {  	_ =	strace $0x90000047  }
0x179: {  	[bflag:$0x2] =	sbarrier.arrive $0xFFFF  }
0x17a: {  	p0 =	sne.s32 s9, $0x0;
	s0 =	rddreg [dreg:$0x2]  }
0x17b: {  	s0 =	sadd.s32 @!p0 $0x100000, s0  }
0x17c: {  	[sflag:s0] =	ssyncadd.tile.s32 @!p0 $0x1;
	_ =	shalt  }
.Lfunc_end1:
_tile_overlayer_lowered:
.L_overlay_start_2:
0x17d: {  	(tag) =	ssettag $0x2  }
0x17e: {  	s0 =	rddreg [dreg:$0x0];
	s2 =	stileid.u32  }
0x17f: {  	s1 =	rddreg [dreg:$0x1];
	p0 =	sne.s32 s2, $0x0  }
0x180: {  	s3 =	rddreg [dreg:$0x2];
	[bflag:$0x3] =	sbarrier.arrive $0xFFFF;
	s2 =	simm.s32 @!p0 $0x1C01  }
0x181: {  	[timem:s3], [sflag:s2] =	dma.local @!p0 [hbm:s0], s1  }
0x182: {  	s0 =	simm.s32 @!p0 $0x1  }
0x183: {  	_ =	swait.ge @!p0 [sflag:s0], s1  }
0x184: {  	s1 =	ssub.s32 @!p0 $0x0, s1;
	[sflag:s0] =	ssyncset.done @!p0 $0x0  }
0x185: {  	[sflag:s0] =	ssyncadd.s32 @!p0 s1  }
0x186: {  	[bflag:$0x3] =	sbarrier.arrive $0xFFFF  }
0x187: {  	_ =	shalt  }

</sc_bundles>
